<compile_context>
chip_gen: v7x
topology: tpu7x:2x2x1
jax: 0.10.2.dev20260603
libtpu: 0.0.44.dev20260713+nightly
codegen_flags: <defaults>
</compile_context>

<pallas_src>
import functools

import jax
import jax.numpy as jnp
from jax import lax
from jax.experimental import pallas as pl
from jax.experimental.pallas import tpu as pltpu
from jax.experimental.pallas import tpu_sc as plsc

B = 16384
F = 32
NC = 2
NS = 16
NW = NC * NS
BPW = B // NW
CHUNK = 128
NCHUNK = BPW // CHUNK
LANES = 16
NBLK = BPW // LANES

_mesh = plsc.VectorSubcoreMesh(core_axis_name="c", subcore_axis_name="s")


@functools.partial(
    pl.kernel,
    mesh=_mesh,
    compiler_params=pltpu.CompilerParams(use_tc_tiling_on_sc=False),
    out_type=jax.ShapeDtypeStruct((B,), jnp.float32),
    scratch_types=[
        pltpu.VMEM((NCHUNK, CHUNK), jnp.int32),
        pltpu.VMEM((NCHUNK, CHUNK), jnp.int32),
        pltpu.VMEM((BPW, F), jnp.float32),
        pltpu.VMEM((BPW, F), jnp.float32),
        pltpu.VMEM((BPW,), jnp.float32),
        pltpu.SemaphoreType.DMA,
    ],
)
def _mf_kernel(user_hbm, item_hbm, uf_hbm, if_hbm, out_hbm,
               uidx, iidx, urows, vrows, outv, sem):
    wid = lax.axis_index("s") * NC + lax.axis_index("c")
    base = wid * BPW

    for j in range(NCHUNK):
        pltpu.sync_copy(user_hbm.at[pl.ds(base + j * CHUNK, CHUNK)], uidx.at[j])
        pltpu.sync_copy(item_hbm.at[pl.ds(base + j * CHUNK, CHUNK)], iidx.at[j])

    copies = []
    for j in range(NCHUNK):
        copies.append(pltpu.async_copy(
            uf_hbm.at[uidx.at[j]], urows.at[pl.ds(j * CHUNK, CHUNK)], sem))
        copies.append(pltpu.async_copy(
            if_hbm.at[iidx.at[j]], vrows.at[pl.ds(j * CHUNK, CHUNK)], sem))
    for cp in copies:
        cp.wait()

    lane = lax.iota(jnp.int32, LANES)
    one_i = jnp.ones((LANES,), jnp.int32)

    def xlane(x, idx):
        return lax.gather(
            x, idx[:, None],
            lax.GatherDimensionNumbers(
                offset_dims=(), collapsed_slice_dims=(0,),
                start_index_map=(0,)),
            slice_sizes=(1,),
            mode=lax.GatherScatterMode.PROMISE_IN_BOUNDS)

    perms = [lane ^ d for d in (8, 4, 2, 1)]

    def block(bb, carry):
        rbase = bb * LANES
        acc = jnp.zeros((LANES,), jnp.float32)
        for r in range(LANES):
            row = rbase + r
            u0 = urows[row, pl.ds(0, LANES)]
            u1 = urows[row, pl.ds(LANES, LANES)]
            v0 = vrows[row, pl.ds(0, LANES)]
            v1 = vrows[row, pl.ds(LANES, LANES)]
            p = u0 * v0 + u1 * v1
            for pm in perms:
                p = p + xlane(p, pm)
            oh = jnp.minimum(jnp.abs(lane - r), one_i).astype(jnp.float32)
            acc = acc + (p - oh * p)
        outv[pl.ds(rbase, LANES)] = acc
        return carry

    lax.fori_loop(0, NBLK, block, 0)

    pltpu.sync_copy(outv, out_hbm.at[pl.ds(base, BPW)])


def kernel(user, item, user_factors, item_factors):
    uf8 = user_factors.T.reshape(-1, F)
    if8 = item_factors.T.reshape(-1, F)
    return _mf_kernel(user.astype(jnp.int32), item.astype(jnp.int32),
                      uf8, if8)

# --- scband reference (transcript-rebuilt; emitter-appended) ---
"""Pipeline reference for scband-matrix-factorization-80410377716440 (READ-ONLY COPY).

The authoritative reference and input builder live on the scoring server;
editing this copy changes nothing except your own understanding.
"""

import jax, jax.numpy as jnp
import numpy as np

N_USERS = 1000000
N_ITEMS = 1000000
N_FACTORS = 32
BATCH = 16384


def setup_inputs(seed: int = 0) -> dict:
    key = jax.random.key(seed)
    k1, k2, k3, k4 = jax.random.split(key, 4)
    user = jax.random.randint(k1, (BATCH,), 0, N_USERS, dtype=jnp.int64 if jax.config.jax_enable_x64 else jnp.int32)
    item = jax.random.randint(k2, (BATCH,), 0, N_ITEMS, dtype=jnp.int64 if jax.config.jax_enable_x64 else jnp.int32)
    user_factors = jax.random.normal(k3, (N_USERS, N_FACTORS), dtype=jnp.float32)
    item_factors = jax.random.normal(k4, (N_ITEMS, N_FACTORS), dtype=jnp.float32)
    return {"user": user, "item": item, "user_factors": user_factors, "item_factors": item_factors}


def reference(user, item, user_factors, item_factors):
    # embedding lookups (gathers)
    u = jnp.take(user_factors, user, axis=0)  # [B, F]
    v = jnp.take(item_factors, item, axis=0)  # [B, F]
    # elementwise product and reduce over factor dim
    return (u * v).sum(-1)  # [B]

if __name__ == "__main__":
    import jax
    _d = setup_inputs()
    print(jax.jit(kernel)(*tuple(_d.values())))

</pallas_src>

<mosaic_0001>
#map = affine_map<(d0, d1) -> (0)>
#map1 = affine_map<(d0, d1) -> (0, 0)>
module attributes {stable_mosaic.version = 14 : i64} {
  func.func @_mf_kernel(%arg0: i32, %arg1: i32, %arg2: memref<16384xi32, #tpu.memory_space<hbm>>, %arg3: memref<16384xi32, #tpu.memory_space<hbm>>, %arg4: memref<1000000x32xf32, #tpu.memory_space<hbm>>, %arg5: memref<1000000x32xf32, #tpu.memory_space<hbm>>, %arg6: memref<16384xf32, #tpu.memory_space<hbm>>, %arg7: memref<4x128xi32, #tpu.memory_space<vmem>>, %arg8: memref<4x128xi32, #tpu.memory_space<vmem>>, %arg9: memref<512x32xf32, #tpu.memory_space<vmem>>, %arg10: memref<512x32xf32, #tpu.memory_space<vmem>>, %arg11: memref<512xf32, #tpu.memory_space<vmem>>, %arg12: memref<!tpu.dma_semaphore, #tpu.memory_space<semaphore_mem>>) attributes {dimension_semantics = [#tpu.dimension_semantics<core_parallel>, #tpu.dimension_semantics<subcore_parallel>], iteration_bounds = array<i64: 2, 16>, scalar_prefetch = 0 : i64, scratch_operands = 6 : i64, tpu.core_type = #tpu.core_type<sc_vector_subcore>, window_params = [{transform_indices = #map}, {transform_indices = #map}, {transform_indices = #map1}, {transform_indices = #map1}, {transform_indices = #map}]} {
    %mul3A = arith.constant 2 : i32
    %mul3A_0 = arith.muli %arg1, %mul3A : i32
    %add3A = arith.addi %mul3A_0, %arg0 : i32
    %mul3A_1 = arith.constant 512 : i32
    %mul3A_2 = arith.muli %add3A, %mul3A_1 : i32
    %add3A_3 = arith.constant 0 : i32
    %add3A_4 = arith.addi %mul3A_2, %add3A_3 : i32
    %run_scoped3A = arith.constant 0 : i32
    "tpu.region"() ({
      %run_scoped3A_201 = tpu.sem_alloc : memref<!tpu.dma_semaphore, #tpu.memory_space<semaphore_mem>>
      %dma_start3A_202 = arith.constant 0 : i32
      %dma_start3A_203 = tpu.memref_slice %arg7[%run_scoped3A, %dma_start3A_202] : memref<4x128xi32, #tpu.memory_space<vmem>> -> memref<1x128xi32, #tpu.memory_space<vmem>>
      %dma_start3A_204 = tpu.memref_squeeze %dma_start3A_203 : memref<1x128xi32, #tpu.memory_space<vmem>> -> memref<128xi32, #tpu.memory_space<vmem>>
      %dma_start3A_205 = tpu.memref_slice %arg2[%add3A_4] : memref<16384xi32, #tpu.memory_space<hbm>> -> memref<128xi32, #tpu.memory_space<hbm>>
      %dma_start3A_206 = arith.constant 0 : i32
      %dma_start3A_207 = tpu.memref_slice %arg7[%run_scoped3A, %dma_start3A_206] : memref<4x128xi32, #tpu.memory_space<vmem>> -> memref<1x128xi32, #tpu.memory_space<vmem>>
      %dma_start3A_208 = tpu.memref_squeeze %dma_start3A_207 : memref<1x128xi32, #tpu.memory_space<vmem>> -> memref<128xi32, #tpu.memory_space<vmem>>
      %dma_start3A_209 = tpu.memref_slice %arg2[%add3A_4] : memref<16384xi32, #tpu.memory_space<hbm>> -> memref<128xi32, #tpu.memory_space<hbm>>
      tpu.enqueue_dma source(%dma_start3A_209 : memref<128xi32, #tpu.memory_space<hbm>>) target(%dma_start3A_208 : memref<128xi32, #tpu.memory_space<vmem>>) target_semaphore(%run_scoped3A_201 : memref<!tpu.dma_semaphore, #tpu.memory_space<semaphore_mem>>)
      %dma_wait3A_210 = arith.constant 0 : i32
      %dma_wait3A_211 = tpu.memref_slice %arg7[%run_scoped3A, %dma_wait3A_210] : memref<4x128xi32, #tpu.memory_space<vmem>> -> memref<1x128xi32, #tpu.memory_space<vmem>>
      %dma_wait3A_212 = tpu.memref_squeeze %dma_wait3A_211 : memref<1x128xi32, #tpu.memory_space<vmem>> -> memref<128xi32, #tpu.memory_space<vmem>>
      %dma_wait3A_213 = tpu.memref_slice %arg2[%add3A_4] : memref<16384xi32, #tpu.memory_space<hbm>> -> memref<128xi32, #tpu.memory_space<hbm>>
      %dma_wait3A_214 = arith.constant 0 : i32
      %dma_wait3A_215 = tpu.memref_slice %arg7[%run_scoped3A, %dma_wait3A_214] : memref<4x128xi32, #tpu.memory_space<vmem>> -> memref<1x128xi32, #tpu.memory_space<vmem>>
      %dma_wait3A_216 = tpu.memref_squeeze %dma_wait3A_215 : memref<1x128xi32, #tpu.memory_space<vmem>> -> memref<128xi32, #tpu.memory_space<vmem>>
      %dma_wait3A_217 = tpu.memref_slice %arg2[%add3A_4] : memref<16384xi32, #tpu.memory_space<hbm>> -> memref<128xi32, #tpu.memory_space<hbm>>
      tpu.wait_dma2 semaphore(%run_scoped3A_201 : memref<!tpu.dma_semaphore, #tpu.memory_space<semaphore_mem>>) src(%dma_wait3A_217 : memref<128xi32, #tpu.memory_space<hbm>>) dst(%dma_wait3A_216 : memref<128xi32, #tpu.memory_space<vmem>>)
      tpu.yield
    }) : () -> ()
    %add3A_5 = arith.constant 0 : i32
    %add3A_6 = arith.addi %mul3A_2, %add3A_5 : i32
    %run_scoped3A_7 = arith.constant 0 : i32
    "tpu.region"() ({
      %run_scoped3A_201 = tpu.sem_alloc : memref<!tpu.dma_semaphore, #tpu.memory_space<semaphore_mem>>
      %dma_start3A_202 = arith.constant 0 : i32
      %dma_start3A_203 = tpu.memref_slice %arg8[%run_scoped3A_7, %dma_start3A_202] : memref<4x128xi32, #tpu.memory_space<vmem>> -> memref<1x128xi32, #tpu.memory_space<vmem>>
      %dma_start3A_204 = tpu.memref_squeeze %dma_start3A_203 : memref<1x128xi32, #tpu.memory_space<vmem>> -> memref<128xi32, #tpu.memory_space<vmem>>
      %dma_start3A_205 = tpu.memref_slice %arg3[%add3A_6] : memref<16384xi32, #tpu.memory_space<hbm>> -> memref<128xi32, #tpu.memory_space<hbm>>
      %dma_start3A_206 = arith.constant 0 : i32
      %dma_start3A_207 = tpu.memref_slice %arg8[%run_scoped3A_7, %dma_start3A_206] : memref<4x128xi32, #tpu.memory_space<vmem>> -> memref<1x128xi32, #tpu.memory_space<vmem>>
      %dma_start3A_208 = tpu.memref_squeeze %dma_start3A_207 : memref<1x128xi32, #tpu.memory_space<vmem>> -> memref<128xi32, #tpu.memory_space<vmem>>
      %dma_start3A_209 = tpu.memref_slice %arg3[%add3A_6] : memref<16384xi32, #tpu.memory_space<hbm>> -> memref<128xi32, #tpu.memory_space<hbm>>
      tpu.enqueue_dma source(%dma_start3A_209 : memref<128xi32, #tpu.memory_space<hbm>>) target(%dma_start3A_208 : memref<128xi32, #tpu.memory_space<vmem>>) target_semaphore(%run_scoped3A_201 : memref<!tpu.dma_semaphore, #tpu.memory_space<semaphore_mem>>)
      %dma_wait3A_210 = arith.constant 0 : i32
      %dma_wait3A_211 = tpu.memref_slice %arg8[%run_scoped3A_7, %dma_wait3A_210] : memref<4x128xi32, #tpu.memory_space<vmem>> -> memref<1x128xi32, #tpu.memory_space<vmem>>
      %dma_wait3A_212 = tpu.memref_squeeze %dma_wait3A_211 : memref<1x128xi32, #tpu.memory_space<vmem>> -> memref<128xi32, #tpu.memory_space<vmem>>
      %dma_wait3A_213 = tpu.memref_slice %arg3[%add3A_6] : memref<16384xi32, #tpu.memory_space<hbm>> -> memref<128xi32, #tpu.memory_space<hbm>>
      %dma_wait3A_214 = arith.constant 0 : i32
      %dma_wait3A_215 = tpu.memref_slice %arg8[%run_scoped3A_7, %dma_wait3A_214] : memref<4x128xi32, #tpu.memory_space<vmem>> -> memref<1x128xi32, #tpu.memory_space<vmem>>
      %dma_wait3A_216 = tpu.memref_squeeze %dma_wait3A_215 : memref<1x128xi32, #tpu.memory_space<vmem>> -> memref<128xi32, #tpu.memory_space<vmem>>
      %dma_wait3A_217 = tpu.memref_slice %arg3[%add3A_6] : memref<16384xi32, #tpu.memory_space<hbm>> -> memref<128xi32, #tpu.memory_space<hbm>>
      tpu.wait_dma2 semaphore(%run_scoped3A_201 : memref<!tpu.dma_semaphore, #tpu.memory_space<semaphore_mem>>) src(%dma_wait3A_217 : memref<128xi32, #tpu.memory_space<hbm>>) dst(%dma_wait3A_216 : memref<128xi32, #tpu.memory_space<vmem>>)
      tpu.yield
    }) : () -> ()
    %add3A_8 = arith.constant 128 : i32
    %add3A_9 = arith.addi %mul3A_2, %add3A_8 : i32
    %run_scoped3A_10 = arith.constant 1 : i32
    "tpu.region"() ({
      %run_scoped3A_201 = tpu.sem_alloc : memref<!tpu.dma_semaphore, #tpu.memory_space<semaphore_mem>>
      %dma_start3A_202 = arith.constant 0 : i32
      %dma_start3A_203 = tpu.memref_slice %arg7[%run_scoped3A_10, %dma_start3A_202] : memref<4x128xi32, #tpu.memory_space<vmem>> -> memref<1x128xi32, #tpu.memory_space<vmem>>
      %dma_start3A_204 = tpu.memref_squeeze %dma_start3A_203 : memref<1x128xi32, #tpu.memory_space<vmem>> -> memref<128xi32, #tpu.memory_space<vmem>>
      %dma_start3A_205 = tpu.memref_slice %arg2[%add3A_9] : memref<16384xi32, #tpu.memory_space<hbm>> -> memref<128xi32, #tpu.memory_space<hbm>>
      %dma_start3A_206 = arith.constant 0 : i32
      %dma_start3A_207 = tpu.memref_slice %arg7[%run_scoped3A_10, %dma_start3A_206] : memref<4x128xi32, #tpu.memory_space<vmem>> -> memref<1x128xi32, #tpu.memory_space<vmem>>
      %dma_start3A_208 = tpu.memref_squeeze %dma_start3A_207 : memref<1x128xi32, #tpu.memory_space<vmem>> -> memref<128xi32, #tpu.memory_space<vmem>>
      %dma_start3A_209 = tpu.memref_slice %arg2[%add3A_9] : memref<16384xi32, #tpu.memory_space<hbm>> -> memref<128xi32, #tpu.memory_space<hbm>>
      tpu.enqueue_dma source(%dma_start3A_209 : memref<128xi32, #tpu.memory_space<hbm>>) target(%dma_start3A_208 : memref<128xi32, #tpu.memory_space<vmem>>) target_semaphore(%run_scoped3A_201 : memref<!tpu.dma_semaphore, #tpu.memory_space<semaphore_mem>>)
      %dma_wait3A_210 = arith.constant 0 : i32
      %dma_wait3A_211 = tpu.memref_slice %arg7[%run_scoped3A_10, %dma_wait3A_210] : memref<4x128xi32, #tpu.memory_space<vmem>> -> memref<1x128xi32, #tpu.memory_space<vmem>>
      %dma_wait3A_212 = tpu.memref_squeeze %dma_wait3A_211 : memref<1x128xi32, #tpu.memory_space<vmem>> -> memref<128xi32, #tpu.memory_space<vmem>>
      %dma_wait3A_213 = tpu.memref_slice %arg2[%add3A_9] : memref<16384xi32, #tpu.memory_space<hbm>> -> memref<128xi32, #tpu.memory_space<hbm>>
      %dma_wait3A_214 = arith.constant 0 : i32
      %dma_wait3A_215 = tpu.memref_slice %arg7[%run_scoped3A_10, %dma_wait3A_214] : memref<4x128xi32, #tpu.memory_space<vmem>> -> memref<1x128xi32, #tpu.memory_space<vmem>>
      %dma_wait3A_216 = tpu.memref_squeeze %dma_wait3A_215 : memref<1x128xi32, #tpu.memory_space<vmem>> -> memref<128xi32, #tpu.memory_space<vmem>>
      %dma_wait3A_217 = tpu.memref_slice %arg2[%add3A_9] : memref<16384xi32, #tpu.memory_space<hbm>> -> memref<128xi32, #tpu.memory_space<hbm>>
      tpu.wait_dma2 semaphore(%run_scoped3A_201 : memref<!tpu.dma_semaphore, #tpu.memory_space<semaphore_mem>>) src(%dma_wait3A_217 : memref<128xi32, #tpu.memory_space<hbm>>) dst(%dma_wait3A_216 : memref<128xi32, #tpu.memory_space<vmem>>)
      tpu.yield
    }) : () -> ()
    %add3A_11 = arith.constant 128 : i32
    %add3A_12 = arith.addi %mul3A_2, %add3A_11 : i32
    %run_scoped3A_13 = arith.constant 1 : i32
    "tpu.region"() ({
      %run_scoped3A_201 = tpu.sem_alloc : memref<!tpu.dma_semaphore, #tpu.memory_space<semaphore_mem>>
      %dma_start3A_202 = arith.constant 0 : i32
      %dma_start3A_203 = tpu.memref_slice %arg8[%run_scoped3A_13, %dma_start3A_202] : memref<4x128xi32, #tpu.memory_space<vmem>> -> memref<1x128xi32, #tpu.memory_space<vmem>>
      %dma_start3A_204 = tpu.memref_squeeze %dma_start3A_203 : memref<1x128xi32, #tpu.memory_space<vmem>> -> memref<128xi32, #tpu.memory_space<vmem>>
      %dma_start3A_205 = tpu.memref_slice %arg3[%add3A_12] : memref<16384xi32, #tpu.memory_space<hbm>> -> memref<128xi32, #tpu.memory_space<hbm>>
      %dma_start3A_206 = arith.constant 0 : i32
      %dma_start3A_207 = tpu.memref_slice %arg8[%run_scoped3A_13, %dma_start3A_206] : memref<4x128xi32, #tpu.memory_space<vmem>> -> memref<1x128xi32, #tpu.memory_space<vmem>>
      %dma_start3A_208 = tpu.memref_squeeze %dma_start3A_207 : memref<1x128xi32, #tpu.memory_space<vmem>> -> memref<128xi32, #tpu.memory_space<vmem>>
      %dma_start3A_209 = tpu.memref_slice %arg3[%add3A_12] : memref<16384xi32, #tpu.memory_space<hbm>> -> memref<128xi32, #tpu.memory_space<hbm>>
      tpu.enqueue_dma source(%dma_start3A_209 : memref<128xi32, #tpu.memory_space<hbm>>) target(%dma_start3A_208 : memref<128xi32, #tpu.memory_space<vmem>>) target_semaphore(%run_scoped3A_201 : memref<!tpu.dma_semaphore, #tpu.memory_space<semaphore_mem>>)
      %dma_wait3A_210 = arith.constant 0 : i32
      %dma_wait3A_211 = tpu.memref_slice %arg8[%run_scoped3A_13, %dma_wait3A_210] : memref<4x128xi32, #tpu.memory_space<vmem>> -> memref<1x128xi32, #tpu.memory_space<vmem>>
      %dma_wait3A_212 = tpu.memref_squeeze %dma_wait3A_211 : memref<1x128xi32, #tpu.memory_space<vmem>> -> memref<128xi32, #tpu.memory_space<vmem>>
      %dma_wait3A_213 = tpu.memref_slice %arg3[%add3A_12] : memref<16384xi32, #tpu.memory_space<hbm>> -> memref<128xi32, #tpu.memory_space<hbm>>
      %dma_wait3A_214 = arith.constant 0 : i32
      %dma_wait3A_215 = tpu.memref_slice %arg8[%run_scoped3A_13, %dma_wait3A_214] : memref<4x128xi32, #tpu.memory_space<vmem>> -> memref<1x128xi32, #tpu.memory_space<vmem>>
      %dma_wait3A_216 = tpu.memref_squeeze %dma_wait3A_215 : memref<1x128xi32, #tpu.memory_space<vmem>> -> memref<128xi32, #tpu.memory_space<vmem>>
      %dma_wait3A_217 = tpu.memref_slice %arg3[%add3A_12] : memref<16384xi32, #tpu.memory_space<hbm>> -> memref<128xi32, #tpu.memory_space<hbm>>
      tpu.wait_dma2 semaphore(%run_scoped3A_201 : memref<!tpu.dma_semaphore, #tpu.memory_space<semaphore_mem>>) src(%dma_wait3A_217 : memref<128xi32, #tpu.memory_space<hbm>>) dst(%dma_wait3A_216 : memref<128xi32, #tpu.memory_space<vmem>>)
      tpu.yield
    }) : () -> ()
    %add3A_14 = arith.constant 256 : i32
    %add3A_15 = arith.addi %mul3A_2, %add3A_14 : i32
    %run_scoped3A_16 = arith.constant 2 : i32
    "tpu.region"() ({
      %run_scoped3A_201 = tpu.sem_alloc : memref<!tpu.dma_semaphore, #tpu.memory_space<semaphore_mem>>
      %dma_start3A_202 = arith.constant 0 : i32
      %dma_start3A_203 = tpu.memref_slice %arg7[%run_scoped3A_16, %dma_start3A_202] : memref<4x128xi32, #tpu.memory_space<vmem>> -> memref<1x128xi32, #tpu.memory_space<vmem>>
      %dma_start3A_204 = tpu.memref_squeeze %dma_start3A_203 : memref<1x128xi32, #tpu.memory_space<vmem>> -> memref<128xi32, #tpu.memory_space<vmem>>
      %dma_start3A_205 = tpu.memref_slice %arg2[%add3A_15] : memref<16384xi32, #tpu.memory_space<hbm>> -> memref<128xi32, #tpu.memory_space<hbm>>
      %dma_start3A_206 = arith.constant 0 : i32
      %dma_start3A_207 = tpu.memref_slice %arg7[%run_scoped3A_16, %dma_start3A_206] : memref<4x128xi32, #tpu.memory_space<vmem>> -> memref<1x128xi32, #tpu.memory_space<vmem>>
      %dma_start3A_208 = tpu.memref_squeeze %dma_start3A_207 : memref<1x128xi32, #tpu.memory_space<vmem>> -> memref<128xi32, #tpu.memory_space<vmem>>
      %dma_start3A_209 = tpu.memref_slice %arg2[%add3A_15] : memref<16384xi32, #tpu.memory_space<hbm>> -> memref<128xi32, #tpu.memory_space<hbm>>
      tpu.enqueue_dma source(%dma_start3A_209 : memref<128xi32, #tpu.memory_space<hbm>>) target(%dma_start3A_208 : memref<128xi32, #tpu.memory_space<vmem>>) target_semaphore(%run_scoped3A_201 : memref<!tpu.dma_semaphore, #tpu.memory_space<semaphore_mem>>)
      %dma_wait3A_210 = arith.constant 0 : i32
      %dma_wait3A_211 = tpu.memref_slice %arg7[%run_scoped3A_16, %dma_wait3A_210] : memref<4x128xi32, #tpu.memory_space<vmem>> -> memref<1x128xi32, #tpu.memory_space<vmem>>
      %dma_wait3A_212 = tpu.memref_squeeze %dma_wait3A_211 : memref<1x128xi32, #tpu.memory_space<vmem>> -> memref<128xi32, #tpu.memory_space<vmem>>
      %dma_wait3A_213 = tpu.memref_slice %arg2[%add3A_15] : memref<16384xi32, #tpu.memory_space<hbm>> -> memref<128xi32, #tpu.memory_space<hbm>>
      %dma_wait3A_214 = arith.constant 0 : i32
      %dma_wait3A_215 = tpu.memref_slice %arg7[%run_scoped3A_16, %dma_wait3A_214] : memref<4x128xi32, #tpu.memory_space<vmem>> -> memref<1x128xi32, #tpu.memory_space<vmem>>
      %dma_wait3A_216 = tpu.memref_squeeze %dma_wait3A_215 : memref<1x128xi32, #tpu.memory_space<vmem>> -> memref<128xi32, #tpu.memory_space<vmem>>
      %dma_wait3A_217 = tpu.memref_slice %arg2[%add3A_15] : memref<16384xi32, #tpu.memory_space<hbm>> -> memref<128xi32, #tpu.memory_space<hbm>>
      tpu.wait_dma2 semaphore(%run_scoped3A_201 : memref<!tpu.dma_semaphore, #tpu.memory_space<semaphore_mem>>) src(%dma_wait3A_217 : memref<128xi32, #tpu.memory_space<hbm>>) dst(%dma_wait3A_216 : memref<128xi32, #tpu.memory_space<vmem>>)
      tpu.yield
    }) : () -> ()
    %add3A_17 = arith.constant 256 : i32
    %add3A_18 = arith.addi %mul3A_2, %add3A_17 : i32
    %run_scoped3A_19 = arith.constant 2 : i32
    "tpu.region"() ({
      %run_scoped3A_201 = tpu.sem_alloc : memref<!tpu.dma_semaphore, #tpu.memory_space<semaphore_mem>>
      %dma_start3A_202 = arith.constant 0 : i32
      %dma_start3A_203 = tpu.memref_slice %arg8[%run_scoped3A_19, %dma_start3A_202] : memref<4x128xi32, #tpu.memory_space<vmem>> -> memref<1x128xi32, #tpu.memory_space<vmem>>
      %dma_start3A_204 = tpu.memref_squeeze %dma_start3A_203 : memref<1x128xi32, #tpu.memory_space<vmem>> -> memref<128xi32, #tpu.memory_space<vmem>>
      %dma_start3A_205 = tpu.memref_slice %arg3[%add3A_18] : memref<16384xi32, #tpu.memory_space<hbm>> -> memref<128xi32, #tpu.memory_space<hbm>>
      %dma_start3A_206 = arith.constant 0 : i32
      %dma_start3A_207 = tpu.memref_slice %arg8[%run_scoped3A_19, %dma_start3A_206] : memref<4x128xi32, #tpu.memory_space<vmem>> -> memref<1x128xi32, #tpu.memory_space<vmem>>
      %dma_start3A_208 = tpu.memref_squeeze %dma_start3A_207 : memref<1x128xi32, #tpu.memory_space<vmem>> -> memref<128xi32, #tpu.memory_space<vmem>>
      %dma_start3A_209 = tpu.memref_slice %arg3[%add3A_18] : memref<16384xi32, #tpu.memory_space<hbm>> -> memref<128xi32, #tpu.memory_space<hbm>>
      tpu.enqueue_dma source(%dma_start3A_209 : memref<128xi32, #tpu.memory_space<hbm>>) target(%dma_start3A_208 : memref<128xi32, #tpu.memory_space<vmem>>) target_semaphore(%run_scoped3A_201 : memref<!tpu.dma_semaphore, #tpu.memory_space<semaphore_mem>>)
      %dma_wait3A_210 = arith.constant 0 : i32
      %dma_wait3A_211 = tpu.memref_slice %arg8[%run_scoped3A_19, %dma_wait3A_210] : memref<4x128xi32, #tpu.memory_space<vmem>> -> memref<1x128xi32, #tpu.memory_space<vmem>>
      %dma_wait3A_212 = tpu.memref_squeeze %dma_wait3A_211 : memref<1x128xi32, #tpu.memory_space<vmem>> -> memref<128xi32, #tpu.memory_space<vmem>>
      %dma_wait3A_213 = tpu.memref_slice %arg3[%add3A_18] : memref<16384xi32, #tpu.memory_space<hbm>> -> memref<128xi32, #tpu.memory_space<hbm>>
      %dma_wait3A_214 = arith.constant 0 : i32
      %dma_wait3A_215 = tpu.memref_slice %arg8[%run_scoped3A_19, %dma_wait3A_214] : memref<4x128xi32, #tpu.memory_space<vmem>> -> memref<1x128xi32, #tpu.memory_space<vmem>>
      %dma_wait3A_216 = tpu.memref_squeeze %dma_wait3A_215 : memref<1x128xi32, #tpu.memory_space<vmem>> -> memref<128xi32, #tpu.memory_space<vmem>>
      %dma_wait3A_217 = tpu.memref_slice %arg3[%add3A_18] : memref<16384xi32, #tpu.memory_space<hbm>> -> memref<128xi32, #tpu.memory_space<hbm>>
      tpu.wait_dma2 semaphore(%run_scoped3A_201 : memref<!tpu.dma_semaphore, #tpu.memory_space<semaphore_mem>>) src(%dma_wait3A_217 : memref<128xi32, #tpu.memory_space<hbm>>) dst(%dma_wait3A_216 : memref<128xi32, #tpu.memory_space<vmem>>)
      tpu.yield
    }) : () -> ()
    %add3A_20 = arith.constant 384 : i32
    %add3A_21 = arith.addi %mul3A_2, %add3A_20 : i32
    %run_scoped3A_22 = arith.constant 3 : i32
    "tpu.region"() ({
      %run_scoped3A_201 = tpu.sem_alloc : memref<!tpu.dma_semaphore, #tpu.memory_space<semaphore_mem>>
      %dma_start3A_202 = arith.constant 0 : i32
      %dma_start3A_203 = tpu.memref_slice %arg7[%run_scoped3A_22, %dma_start3A_202] : memref<4x128xi32, #tpu.memory_space<vmem>> -> memref<1x128xi32, #tpu.memory_space<vmem>>
      %dma_start3A_204 = tpu.memref_squeeze %dma_start3A_203 : memref<1x128xi32, #tpu.memory_space<vmem>> -> memref<128xi32, #tpu.memory_space<vmem>>
      %dma_start3A_205 = tpu.memref_slice %arg2[%add3A_21] : memref<16384xi32, #tpu.memory_space<hbm>> -> memref<128xi32, #tpu.memory_space<hbm>>
      %dma_start3A_206 = arith.constant 0 : i32
      %dma_start3A_207 = tpu.memref_slice %arg7[%run_scoped3A_22, %dma_start3A_206] : memref<4x128xi32, #tpu.memory_space<vmem>> -> memref<1x128xi32, #tpu.memory_space<vmem>>
      %dma_start3A_208 = tpu.memref_squeeze %dma_start3A_207 : memref<1x128xi32, #tpu.memory_space<vmem>> -> memref<128xi32, #tpu.memory_space<vmem>>
      %dma_start3A_209 = tpu.memref_slice %arg2[%add3A_21] : memref<16384xi32, #tpu.memory_space<hbm>> -> memref<128xi32, #tpu.memory_space<hbm>>
      tpu.enqueue_dma source(%dma_start3A_209 : memref<128xi32, #tpu.memory_space<hbm>>) target(%dma_start3A_208 : memref<128xi32, #tpu.memory_space<vmem>>) target_semaphore(%run_scoped3A_201 : memref<!tpu.dma_semaphore, #tpu.memory_space<semaphore_mem>>)
      %dma_wait3A_210 = arith.constant 0 : i32
      %dma_wait3A_211 = tpu.memref_slice %arg7[%run_scoped3A_22, %dma_wait3A_210] : memref<4x128xi32, #tpu.memory_space<vmem>> -> memref<1x128xi32, #tpu.memory_space<vmem>>
      %dma_wait3A_212 = tpu.memref_squeeze %dma_wait3A_211 : memref<1x128xi32, #tpu.memory_space<vmem>> -> memref<128xi32, #tpu.memory_space<vmem>>
      %dma_wait3A_213 = tpu.memref_slice %arg2[%add3A_21] : memref<16384xi32, #tpu.memory_space<hbm>> -> memref<128xi32, #tpu.memory_space<hbm>>
      %dma_wait3A_214 = arith.constant 0 : i32
      %dma_wait3A_215 = tpu.memref_slice %arg7[%run_scoped3A_22, %dma_wait3A_214] : memref<4x128xi32, #tpu.memory_space<vmem>> -> memref<1x128xi32, #tpu.memory_space<vmem>>
      %dma_wait3A_216 = tpu.memref_squeeze %dma_wait3A_215 : memref<1x128xi32, #tpu.memory_space<vmem>> -> memref<128xi32, #tpu.memory_space<vmem>>
      %dma_wait3A_217 = tpu.memref_slice %arg2[%add3A_21] : memref<16384xi32, #tpu.memory_space<hbm>> -> memref<128xi32, #tpu.memory_space<hbm>>
      tpu.wait_dma2 semaphore(%run_scoped3A_201 : memref<!tpu.dma_semaphore, #tpu.memory_space<semaphore_mem>>) src(%dma_wait3A_217 : memref<128xi32, #tpu.memory_space<hbm>>) dst(%dma_wait3A_216 : memref<128xi32, #tpu.memory_space<vmem>>)
      tpu.yield
    }) : () -> ()
    %add3A_23 = arith.constant 384 : i32
    %add3A_24 = arith.addi %mul3A_2, %add3A_23 : i32
    %run_scoped3A_25 = arith.constant 3 : i32
    "tpu.region"() ({
      %run_scoped3A_201 = tpu.sem_alloc : memref<!tpu.dma_semaphore, #tpu.memory_space<semaphore_mem>>
      %dma_start3A_202 = arith.constant 0 : i32
      %dma_start3A_203 = tpu.memref_slice %arg8[%run_scoped3A_25, %dma_start3A_202] : memref<4x128xi32, #tpu.memory_space<vmem>> -> memref<1x128xi32, #tpu.memory_space<vmem>>
      %dma_start3A_204 = tpu.memref_squeeze %dma_start3A_203 : memref<1x128xi32, #tpu.memory_space<vmem>> -> memref<128xi32, #tpu.memory_space<vmem>>
      %dma_start3A_205 = tpu.memref_slice %arg3[%add3A_24] : memref<16384xi32, #tpu.memory_space<hbm>> -> memref<128xi32, #tpu.memory_space<hbm>>
      %dma_start3A_206 = arith.constant 0 : i32
      %dma_start3A_207 = tpu.memref_slice %arg8[%run_scoped3A_25, %dma_start3A_206] : memref<4x128xi32, #tpu.memory_space<vmem>> -> memref<1x128xi32, #tpu.memory_space<vmem>>
      %dma_start3A_208 = tpu.memref_squeeze %dma_start3A_207 : memref<1x128xi32, #tpu.memory_space<vmem>> -> memref<128xi32, #tpu.memory_space<vmem>>
      %dma_start3A_209 = tpu.memref_slice %arg3[%add3A_24] : memref<16384xi32, #tpu.memory_space<hbm>> -> memref<128xi32, #tpu.memory_space<hbm>>
      tpu.enqueue_dma source(%dma_start3A_209 : memref<128xi32, #tpu.memory_space<hbm>>) target(%dma_start3A_208 : memref<128xi32, #tpu.memory_space<vmem>>) target_semaphore(%run_scoped3A_201 : memref<!tpu.dma_semaphore, #tpu.memory_space<semaphore_mem>>)
      %dma_wait3A_210 = arith.constant 0 : i32
      %dma_wait3A_211 = tpu.memref_slice %arg8[%run_scoped3A_25, %dma_wait3A_210] : memref<4x128xi32, #tpu.memory_space<vmem>> -> memref<1x128xi32, #tpu.memory_space<vmem>>
      %dma_wait3A_212 = tpu.memref_squeeze %dma_wait3A_211 : memref<1x128xi32, #tpu.memory_space<vmem>> -> memref<128xi32, #tpu.memory_space<vmem>>
      %dma_wait3A_213 = tpu.memref_slice %arg3[%add3A_24] : memref<16384xi32, #tpu.memory_space<hbm>> -> memref<128xi32, #tpu.memory_space<hbm>>
      %dma_wait3A_214 = arith.constant 0 : i32
      %dma_wait3A_215 = tpu.memref_slice %arg8[%run_scoped3A_25, %dma_wait3A_214] : memref<4x128xi32, #tpu.memory_space<vmem>> -> memref<1x128xi32, #tpu.memory_space<vmem>>
      %dma_wait3A_216 = tpu.memref_squeeze %dma_wait3A_215 : memref<1x128xi32, #tpu.memory_space<vmem>> -> memref<128xi32, #tpu.memory_space<vmem>>
      %dma_wait3A_217 = tpu.memref_slice %arg3[%add3A_24] : memref<16384xi32, #tpu.memory_space<hbm>> -> memref<128xi32, #tpu.memory_space<hbm>>
      tpu.wait_dma2 semaphore(%run_scoped3A_201 : memref<!tpu.dma_semaphore, #tpu.memory_space<semaphore_mem>>) src(%dma_wait3A_217 : memref<128xi32, #tpu.memory_space<hbm>>) dst(%dma_wait3A_216 : memref<128xi32, #tpu.memory_space<vmem>>)
      tpu.yield
    }) : () -> ()
    %dma_start3A = arith.constant 0 : i32
    %dma_start3A_26 = arith.constant 0 : i32
    %dma_start3A_27 = arith.constant 0 : i32
    %dma_start3A_28 = tpu.memref_slice %arg9[%dma_start3A_26, %dma_start3A_27] : memref<512x32xf32, #tpu.memory_space<vmem>> -> memref<128x32xf32, #tpu.memory_space<vmem>>
    %dma_start3A_29 = arith.constant 0 : i32
    %dma_start3A_30 = tpu.memref_slice %arg7[%dma_start3A, %dma_start3A_29] : memref<4x128xi32, #tpu.memory_space<vmem>> -> memref<1x128xi32, #tpu.memory_space<vmem>>
    %dma_start3A_31 = tpu.memref_squeeze %dma_start3A_30 : memref<1x128xi32, #tpu.memory_space<vmem>> -> memref<128xi32, #tpu.memory_space<vmem>>
    %dma_start3A_32 = arith.constant 0 : i32
    %dma_start3A_33 = arith.constant 0 : i32
    %dma_start3A_34 = tpu.memref_slice %arg4[%dma_start3A_32, %dma_start3A_33] : memref<1000000x32xf32, #tpu.memory_space<hbm>> -> memref<1000000x32xf32, #tpu.memory_space<hbm>>
    tpu.enqueue_indirect_dma source(%dma_start3A_34 : memref<1000000x32xf32, #tpu.memory_space<hbm>>) target(%dma_start3A_28 : memref<128x32xf32, #tpu.memory_space<vmem>>) offsets(%dma_start3A_31 : memref<128xi32, #tpu.memory_space<vmem>>) semaphore(%arg12 : memref<!tpu.dma_semaphore, #tpu.memory_space<semaphore_mem>>)
    %dma_start3A_35 = arith.constant 0 : i32
    %dma_start3A_36 = arith.constant 0 : i32
    %dma_start3A_37 = arith.constant 0 : i32
    %dma_start3A_38 = tpu.memref_slice %arg10[%dma_start3A_36, %dma_start3A_37] : memref<512x32xf32, #tpu.memory_space<vmem>> -> memref<128x32xf32, #tpu.memory_space<vmem>>
    %dma_start3A_39 = arith.constant 0 : i32
    %dma_start3A_40 = tpu.memref_slice %arg8[%dma_start3A_35, %dma_start3A_39] : memref<4x128xi32, #tpu.memory_space<vmem>> -> memref<1x128xi32, #tpu.memory_space<vmem>>
    %dma_start3A_41 = tpu.memref_squeeze %dma_start3A_40 : memref<1x128xi32, #tpu.memory_space<vmem>> -> memref<128xi32, #tpu.memory_space<vmem>>
    %dma_start3A_42 = arith.constant 0 : i32
    %dma_start3A_43 = arith.constant 0 : i32
    %dma_start3A_44 = tpu.memref_slice %arg5[%dma_start3A_42, %dma_start3A_43] : memref<1000000x32xf32, #tpu.memory_space<hbm>> -> memref<1000000x32xf32, #tpu.memory_space<hbm>>
    tpu.enqueue_indirect_dma source(%dma_start3A_44 : memref<1000000x32xf32, #tpu.memory_space<hbm>>) target(%dma_start3A_38 : memref<128x32xf32, #tpu.memory_space<vmem>>) offsets(%dma_start3A_41 : memref<128xi32, #tpu.memory_space<vmem>>) semaphore(%arg12 : memref<!tpu.dma_semaphore, #tpu.memory_space<semaphore_mem>>)
    %dma_start3A_45 = arith.constant 1 : i32
    %dma_start3A_46 = arith.constant 128 : i32
    %dma_start3A_47 = arith.constant 0 : i32
    %dma_start3A_48 = tpu.memref_slice %arg9[%dma_start3A_46, %dma_start3A_47] : memref<512x32xf32, #tpu.memory_space<vmem>> -> memref<128x32xf32, #tpu.memory_space<vmem>>
    %dma_start3A_49 = arith.constant 0 : i32
    %dma_start3A_50 = tpu.memref_slice %arg7[%dma_start3A_45, %dma_start3A_49] : memref<4x128xi32, #tpu.memory_space<vmem>> -> memref<1x128xi32, #tpu.memory_space<vmem>>
    %dma_start3A_51 = tpu.memref_squeeze %dma_start3A_50 : memref<1x128xi32, #tpu.memory_space<vmem>> -> memref<128xi32, #tpu.memory_space<vmem>>
    %dma_start3A_52 = arith.constant 0 : i32
    %dma_start3A_53 = arith.constant 0 : i32
    %dma_start3A_54 = tpu.memref_slice %arg4[%dma_start3A_52, %dma_start3A_53] : memref<1000000x32xf32, #tpu.memory_space<hbm>> -> memref<1000000x32xf32, #tpu.memory_space<hbm>>
    tpu.enqueue_indirect_dma source(%dma_start3A_54 : memref<1000000x32xf32, #tpu.memory_space<hbm>>) target(%dma_start3A_48 : memref<128x32xf32, #tpu.memory_space<vmem>>) offsets(%dma_start3A_51 : memref<128xi32, #tpu.memory_space<vmem>>) semaphore(%arg12 : memref<!tpu.dma_semaphore, #tpu.memory_space<semaphore_mem>>)
    %dma_start3A_55 = arith.constant 1 : i32
    %dma_start3A_56 = arith.constant 128 : i32
    %dma_start3A_57 = arith.constant 0 : i32
    %dma_start3A_58 = tpu.memref_slice %arg10[%dma_start3A_56, %dma_start3A_57] : memref<512x32xf32, #tpu.memory_space<vmem>> -> memref<128x32xf32, #tpu.memory_space<vmem>>
    %dma_start3A_59 = arith.constant 0 : i32
    %dma_start3A_60 = tpu.memref_slice %arg8[%dma_start3A_55, %dma_start3A_59] : memref<4x128xi32, #tpu.memory_space<vmem>> -> memref<1x128xi32, #tpu.memory_space<vmem>>
    %dma_start3A_61 = tpu.memref_squeeze %dma_start3A_60 : memref<1x128xi32, #tpu.memory_space<vmem>> -> memref<128xi32, #tpu.memory_space<vmem>>
    %dma_start3A_62 = arith.constant 0 : i32
    %dma_start3A_63 = arith.constant 0 : i32
    %dma_start3A_64 = tpu.memref_slice %arg5[%dma_start3A_62, %dma_start3A_63] : memref<1000000x32xf32, #tpu.memory_space<hbm>> -> memref<1000000x32xf32, #tpu.memory_space<hbm>>
    tpu.enqueue_indirect_dma source(%dma_start3A_64 : memref<1000000x32xf32, #tpu.memory_space<hbm>>) target(%dma_start3A_58 : memref<128x32xf32, #tpu.memory_space<vmem>>) offsets(%dma_start3A_61 : memref<128xi32, #tpu.memory_space<vmem>>) semaphore(%arg12 : memref<!tpu.dma_semaphore, #tpu.memory_space<semaphore_mem>>)
    %dma_start3A_65 = arith.constant 2 : i32
    %dma_start3A_66 = arith.constant 256 : i32
    %dma_start3A_67 = arith.constant 0 : i32
    %dma_start3A_68 = tpu.memref_slice %arg9[%dma_start3A_66, %dma_start3A_67] : memref<512x32xf32, #tpu.memory_space<vmem>> -> memref<128x32xf32, #tpu.memory_space<vmem>>
    %dma_start3A_69 = arith.constant 0 : i32
    %dma_start3A_70 = tpu.memref_slice %arg7[%dma_start3A_65, %dma_start3A_69] : memref<4x128xi32, #tpu.memory_space<vmem>> -> memref<1x128xi32, #tpu.memory_space<vmem>>
    %dma_start3A_71 = tpu.memref_squeeze %dma_start3A_70 : memref<1x128xi32, #tpu.memory_space<vmem>> -> memref<128xi32, #tpu.memory_space<vmem>>
    %dma_start3A_72 = arith.constant 0 : i32
    %dma_start3A_73 = arith.constant 0 : i32
    %dma_start3A_74 = tpu.memref_slice %arg4[%dma_start3A_72, %dma_start3A_73] : memref<1000000x32xf32, #tpu.memory_space<hbm>> -> memref<1000000x32xf32, #tpu.memory_space<hbm>>
    tpu.enqueue_indirect_dma source(%dma_start3A_74 : memref<1000000x32xf32, #tpu.memory_space<hbm>>) target(%dma_start3A_68 : memref<128x32xf32, #tpu.memory_space<vmem>>) offsets(%dma_start3A_71 : memref<128xi32, #tpu.memory_space<vmem>>) semaphore(%arg12 : memref<!tpu.dma_semaphore, #tpu.memory_space<semaphore_mem>>)
    %dma_start3A_75 = arith.constant 2 : i32
    %dma_start3A_76 = arith.constant 256 : i32
    %dma_start3A_77 = arith.constant 0 : i32
    %dma_start3A_78 = tpu.memref_slice %arg10[%dma_start3A_76, %dma_start3A_77] : memref<512x32xf32, #tpu.memory_space<vmem>> -> memref<128x32xf32, #tpu.memory_space<vmem>>
    %dma_start3A_79 = arith.constant 0 : i32
    %dma_start3A_80 = tpu.memref_slice %arg8[%dma_start3A_75, %dma_start3A_79] : memref<4x128xi32, #tpu.memory_space<vmem>> -> memref<1x128xi32, #tpu.memory_space<vmem>>
    %dma_start3A_81 = tpu.memref_squeeze %dma_start3A_80 : memref<1x128xi32, #tpu.memory_space<vmem>> -> memref<128xi32, #tpu.memory_space<vmem>>
    %dma_start3A_82 = arith.constant 0 : i32
    %dma_start3A_83 = arith.constant 0 : i32
    %dma_start3A_84 = tpu.memref_slice %arg5[%dma_start3A_82, %dma_start3A_83] : memref<1000000x32xf32, #tpu.memory_space<hbm>> -> memref<1000000x32xf32, #tpu.memory_space<hbm>>
    tpu.enqueue_indirect_dma source(%dma_start3A_84 : memref<1000000x32xf32, #tpu.memory_space<hbm>>) target(%dma_start3A_78 : memref<128x32xf32, #tpu.memory_space<vmem>>) offsets(%dma_start3A_81 : memref<128xi32, #tpu.memory_space<vmem>>) semaphore(%arg12 : memref<!tpu.dma_semaphore, #tpu.memory_space<semaphore_mem>>)
    %dma_start3A_85 = arith.constant 3 : i32
    %dma_start3A_86 = arith.constant 384 : i32
    %dma_start3A_87 = arith.constant 0 : i32
    %dma_start3A_88 = tpu.memref_slice %arg9[%dma_start3A_86, %dma_start3A_87] : memref<512x32xf32, #tpu.memory_space<vmem>> -> memref<128x32xf32, #tpu.memory_space<vmem>>
    %dma_start3A_89 = arith.constant 0 : i32
    %dma_start3A_90 = tpu.memref_slice %arg7[%dma_start3A_85, %dma_start3A_89] : memref<4x128xi32, #tpu.memory_space<vmem>> -> memref<1x128xi32, #tpu.memory_space<vmem>>
    %dma_start3A_91 = tpu.memref_squeeze %dma_start3A_90 : memref<1x128xi32, #tpu.memory_space<vmem>> -> memref<128xi32, #tpu.memory_space<vmem>>
    %dma_start3A_92 = arith.constant 0 : i32
    %dma_start3A_93 = arith.constant 0 : i32
    %dma_start3A_94 = tpu.memref_slice %arg4[%dma_start3A_92, %dma_start3A_93] : memref<1000000x32xf32, #tpu.memory_space<hbm>> -> memref<1000000x32xf32, #tpu.memory_space<hbm>>
    tpu.enqueue_indirect_dma source(%dma_start3A_94 : memref<1000000x32xf32, #tpu.memory_space<hbm>>) target(%dma_start3A_88 : memref<128x32xf32, #tpu.memory_space<vmem>>) offsets(%dma_start3A_91 : memref<128xi32, #tpu.memory_space<vmem>>) semaphore(%arg12 : memref<!tpu.dma_semaphore, #tpu.memory_space<semaphore_mem>>)
    %dma_start3A_95 = arith.constant 3 : i32
    %dma_start3A_96 = arith.constant 384 : i32
    %dma_start3A_97 = arith.constant 0 : i32
    %dma_start3A_98 = tpu.memref_slice %arg10[%dma_start3A_96, %dma_start3A_97] : memref<512x32xf32, #tpu.memory_space<vmem>> -> memref<128x32xf32, #tpu.memory_space<vmem>>
    %dma_start3A_99 = arith.constant 0 : i32
    %dma_start3A_100 = tpu.memref_slice %arg8[%dma_start3A_95, %dma_start3A_99] : memref<4x128xi32, #tpu.memory_space<vmem>> -> memref<1x128xi32, #tpu.memory_space<vmem>>
    %dma_start3A_101 = tpu.memref_squeeze %dma_start3A_100 : memref<1x128xi32, #tpu.memory_space<vmem>> -> memref<128xi32, #tpu.memory_space<vmem>>
    %dma_start3A_102 = arith.constant 0 : i32
    %dma_start3A_103 = arith.constant 0 : i32
    %dma_start3A_104 = tpu.memref_slice %arg5[%dma_start3A_102, %dma_start3A_103] : memref<1000000x32xf32, #tpu.memory_space<hbm>> -> memref<1000000x32xf32, #tpu.memory_space<hbm>>
    tpu.enqueue_indirect_dma source(%dma_start3A_104 : memref<1000000x32xf32, #tpu.memory_space<hbm>>) target(%dma_start3A_98 : memref<128x32xf32, #tpu.memory_space<vmem>>) offsets(%dma_start3A_101 : memref<128xi32, #tpu.memory_space<vmem>>) semaphore(%arg12 : memref<!tpu.dma_semaphore, #tpu.memory_space<semaphore_mem>>)
    %dma_wait3A = arith.constant 0 : i32
    %dma_wait3A_105 = arith.constant 0 : i32
    %dma_wait3A_106 = arith.constant 0 : i32
    %dma_wait3A_107 = tpu.memref_slice %arg9[%dma_wait3A_105, %dma_wait3A_106] : memref<512x32xf32, #tpu.memory_space<vmem>> -> memref<128x32xf32, #tpu.memory_space<vmem>>
    %dma_wait3A_108 = arith.constant 0 : i32
    %dma_wait3A_109 = tpu.memref_slice %arg7[%dma_wait3A, %dma_wait3A_108] : memref<4x128xi32, #tpu.memory_space<vmem>> -> memref<1x128xi32, #tpu.memory_space<vmem>>
    %dma_wait3A_110 = tpu.memref_squeeze %dma_wait3A_109 : memref<1x128xi32, #tpu.memory_space<vmem>> -> memref<128xi32, #tpu.memory_space<vmem>>
    %dma_wait3A_111 = arith.constant 0 : i32
    %dma_wait3A_112 = arith.constant 0 : i32
    %dma_wait3A_113 = tpu.memref_slice %arg4[%dma_wait3A_111, %dma_wait3A_112] : memref<1000000x32xf32, #tpu.memory_space<hbm>> -> memref<1000000x32xf32, #tpu.memory_space<hbm>>
    tpu.wait_indirect_dma semaphore(%arg12 : memref<!tpu.dma_semaphore, #tpu.memory_space<semaphore_mem>>) src(%dma_wait3A_113 : memref<1000000x32xf32, #tpu.memory_space<hbm>>) dst(%dma_wait3A_107 : memref<128x32xf32, #tpu.memory_space<vmem>>)
    %dma_wait3A_114 = arith.constant 0 : i32
    %dma_wait3A_115 = arith.constant 0 : i32
    %dma_wait3A_116 = arith.constant 0 : i32
    %dma_wait3A_117 = tpu.memref_slice %arg10[%dma_wait3A_115, %dma_wait3A_116] : memref<512x32xf32, #tpu.memory_space<vmem>> -> memref<128x32xf32, #tpu.memory_space<vmem>>
    %dma_wait3A_118 = arith.constant 0 : i32
    %dma_wait3A_119 = tpu.memref_slice %arg8[%dma_wait3A_114, %dma_wait3A_118] : memref<4x128xi32, #tpu.memory_space<vmem>> -> memref<1x128xi32, #tpu.memory_space<vmem>>
    %dma_wait3A_120 = tpu.memref_squeeze %dma_wait3A_119 : memref<1x128xi32, #tpu.memory_space<vmem>> -> memref<128xi32, #tpu.memory_space<vmem>>
    %dma_wait3A_121 = arith.constant 0 : i32
    %dma_wait3A_122 = arith.constant 0 : i32
    %dma_wait3A_123 = tpu.memref_slice %arg5[%dma_wait3A_121, %dma_wait3A_122] : memref<1000000x32xf32, #tpu.memory_space<hbm>> -> memref<1000000x32xf32, #tpu.memory_space<hbm>>
    tpu.wait_indirect_dma semaphore(%arg12 : memref<!tpu.dma_semaphore, #tpu.memory_space<semaphore_mem>>) src(%dma_wait3A_123 : memref<1000000x32xf32, #tpu.memory_space<hbm>>) dst(%dma_wait3A_117 : memref<128x32xf32, #tpu.memory_space<vmem>>)
    %dma_wait3A_124 = arith.constant 1 : i32
    %dma_wait3A_125 = arith.constant 128 : i32
    %dma_wait3A_126 = arith.constant 0 : i32
    %dma_wait3A_127 = tpu.memref_slice %arg9[%dma_wait3A_125, %dma_wait3A_126] : memref<512x32xf32, #tpu.memory_space<vmem>> -> memref<128x32xf32, #tpu.memory_space<vmem>>
    %dma_wait3A_128 = arith.constant 0 : i32
    %dma_wait3A_129 = tpu.memref_slice %arg7[%dma_wait3A_124, %dma_wait3A_128] : memref<4x128xi32, #tpu.memory_space<vmem>> -> memref<1x128xi32, #tpu.memory_space<vmem>>
    %dma_wait3A_130 = tpu.memref_squeeze %dma_wait3A_129 : memref<1x128xi32, #tpu.memory_space<vmem>> -> memref<128xi32, #tpu.memory_space<vmem>>
    %dma_wait3A_131 = arith.constant 0 : i32
    %dma_wait3A_132 = arith.constant 0 : i32
    %dma_wait3A_133 = tpu.memref_slice %arg4[%dma_wait3A_131, %dma_wait3A_132] : memref<1000000x32xf32, #tpu.memory_space<hbm>> -> memref<1000000x32xf32, #tpu.memory_space<hbm>>
    tpu.wait_indirect_dma semaphore(%arg12 : memref<!tpu.dma_semaphore, #tpu.memory_space<semaphore_mem>>) src(%dma_wait3A_133 : memref<1000000x32xf32, #tpu.memory_space<hbm>>) dst(%dma_wait3A_127 : memref<128x32xf32, #tpu.memory_space<vmem>>)
    %dma_wait3A_134 = arith.constant 1 : i32
    %dma_wait3A_135 = arith.constant 128 : i32
    %dma_wait3A_136 = arith.constant 0 : i32
    %dma_wait3A_137 = tpu.memref_slice %arg10[%dma_wait3A_135, %dma_wait3A_136] : memref<512x32xf32, #tpu.memory_space<vmem>> -> memref<128x32xf32, #tpu.memory_space<vmem>>
    %dma_wait3A_138 = arith.constant 0 : i32
    %dma_wait3A_139 = tpu.memref_slice %arg8[%dma_wait3A_134, %dma_wait3A_138] : memref<4x128xi32, #tpu.memory_space<vmem>> -> memref<1x128xi32, #tpu.memory_space<vmem>>
    %dma_wait3A_140 = tpu.memref_squeeze %dma_wait3A_139 : memref<1x128xi32, #tpu.memory_space<vmem>> -> memref<128xi32, #tpu.memory_space<vmem>>
    %dma_wait3A_141 = arith.constant 0 : i32
    %dma_wait3A_142 = arith.constant 0 : i32
    %dma_wait3A_143 = tpu.memref_slice %arg5[%dma_wait3A_141, %dma_wait3A_142] : memref<1000000x32xf32, #tpu.memory_space<hbm>> -> memref<1000000x32xf32, #tpu.memory_space<hbm>>
    tpu.wait_indirect_dma semaphore(%arg12 : memref<!tpu.dma_semaphore, #tpu.memory_space<semaphore_mem>>) src(%dma_wait3A_143 : memref<1000000x32xf32, #tpu.memory_space<hbm>>) dst(%dma_wait3A_137 : memref<128x32xf32, #tpu.memory_space<vmem>>)
    %dma_wait3A_144 = arith.constant 2 : i32
    %dma_wait3A_145 = arith.constant 256 : i32
    %dma_wait3A_146 = arith.constant 0 : i32
    %dma_wait3A_147 = tpu.memref_slice %arg9[%dma_wait3A_145, %dma_wait3A_146] : memref<512x32xf32, #tpu.memory_space<vmem>> -> memref<128x32xf32, #tpu.memory_space<vmem>>
    %dma_wait3A_148 = arith.constant 0 : i32
    %dma_wait3A_149 = tpu.memref_slice %arg7[%dma_wait3A_144, %dma_wait3A_148] : memref<4x128xi32, #tpu.memory_space<vmem>> -> memref<1x128xi32, #tpu.memory_space<vmem>>
    %dma_wait3A_150 = tpu.memref_squeeze %dma_wait3A_149 : memref<1x128xi32, #tpu.memory_space<vmem>> -> memref<128xi32, #tpu.memory_space<vmem>>
    %dma_wait3A_151 = arith.constant 0 : i32
    %dma_wait3A_152 = arith.constant 0 : i32
    %dma_wait3A_153 = tpu.memref_slice %arg4[%dma_wait3A_151, %dma_wait3A_152] : memref<1000000x32xf32, #tpu.memory_space<hbm>> -> memref<1000000x32xf32, #tpu.memory_space<hbm>>
    tpu.wait_indirect_dma semaphore(%arg12 : memref<!tpu.dma_semaphore, #tpu.memory_space<semaphore_mem>>) src(%dma_wait3A_153 : memref<1000000x32xf32, #tpu.memory_space<hbm>>) dst(%dma_wait3A_147 : memref<128x32xf32, #tpu.memory_space<vmem>>)
    %dma_wait3A_154 = arith.constant 2 : i32
    %dma_wait3A_155 = arith.constant 256 : i32
    %dma_wait3A_156 = arith.constant 0 : i32
    %dma_wait3A_157 = tpu.memref_slice %arg10[%dma_wait3A_155, %dma_wait3A_156] : memref<512x32xf32, #tpu.memory_space<vmem>> -> memref<128x32xf32, #tpu.memory_space<vmem>>
    %dma_wait3A_158 = arith.constant 0 : i32
    %dma_wait3A_159 = tpu.memref_slice %arg8[%dma_wait3A_154, %dma_wait3A_158] : memref<4x128xi32, #tpu.memory_space<vmem>> -> memref<1x128xi32, #tpu.memory_space<vmem>>
    %dma_wait3A_160 = tpu.memref_squeeze %dma_wait3A_159 : memref<1x128xi32, #tpu.memory_space<vmem>> -> memref<128xi32, #tpu.memory_space<vmem>>
    %dma_wait3A_161 = arith.constant 0 : i32
    %dma_wait3A_162 = arith.constant 0 : i32
    %dma_wait3A_163 = tpu.memref_slice %arg5[%dma_wait3A_161, %dma_wait3A_162] : memref<1000000x32xf32, #tpu.memory_space<hbm>> -> memref<1000000x32xf32, #tpu.memory_space<hbm>>
    tpu.wait_indirect_dma semaphore(%arg12 : memref<!tpu.dma_semaphore, #tpu.memory_space<semaphore_mem>>) src(%dma_wait3A_163 : memref<1000000x32xf32, #tpu.memory_space<hbm>>) dst(%dma_wait3A_157 : memref<128x32xf32, #tpu.memory_space<vmem>>)
    %dma_wait3A_164 = arith.constant 3 : i32
    %dma_wait3A_165 = arith.constant 384 : i32
    %dma_wait3A_166 = arith.constant 0 : i32
    %dma_wait3A_167 = tpu.memref_slice %arg9[%dma_wait3A_165, %dma_wait3A_166] : memref<512x32xf32, #tpu.memory_space<vmem>> -> memref<128x32xf32, #tpu.memory_space<vmem>>
    %dma_wait3A_168 = arith.constant 0 : i32
    %dma_wait3A_169 = tpu.memref_slice %arg7[%dma_wait3A_164, %dma_wait3A_168] : memref<4x128xi32, #tpu.memory_space<vmem>> -> memref<1x128xi32, #tpu.memory_space<vmem>>
    %dma_wait3A_170 = tpu.memref_squeeze %dma_wait3A_169 : memref<1x128xi32, #tpu.memory_space<vmem>> -> memref<128xi32, #tpu.memory_space<vmem>>
    %dma_wait3A_171 = arith.constant 0 : i32
    %dma_wait3A_172 = arith.constant 0 : i32
    %dma_wait3A_173 = tpu.memref_slice %arg4[%dma_wait3A_171, %dma_wait3A_172] : memref<1000000x32xf32, #tpu.memory_space<hbm>> -> memref<1000000x32xf32, #tpu.memory_space<hbm>>
    tpu.wait_indirect_dma semaphore(%arg12 : memref<!tpu.dma_semaphore, #tpu.memory_space<semaphore_mem>>) src(%dma_wait3A_173 : memref<1000000x32xf32, #tpu.memory_space<hbm>>) dst(%dma_wait3A_167 : memref<128x32xf32, #tpu.memory_space<vmem>>)
    %dma_wait3A_174 = arith.constant 3 : i32
    %dma_wait3A_175 = arith.constant 384 : i32
    %dma_wait3A_176 = arith.constant 0 : i32
    %dma_wait3A_177 = tpu.memref_slice %arg10[%dma_wait3A_175, %dma_wait3A_176] : memref<512x32xf32, #tpu.memory_space<vmem>> -> memref<128x32xf32, #tpu.memory_space<vmem>>
    %dma_wait3A_178 = arith.constant 0 : i32
    %dma_wait3A_179 = tpu.memref_slice %arg8[%dma_wait3A_174, %dma_wait3A_178] : memref<4x128xi32, #tpu.memory_space<vmem>> -> memref<1x128xi32, #tpu.memory_space<vmem>>
    %dma_wait3A_180 = tpu.memref_squeeze %dma_wait3A_179 : memref<1x128xi32, #tpu.memory_space<vmem>> -> memref<128xi32, #tpu.memory_space<vmem>>
    %dma_wait3A_181 = arith.constant 0 : i32
    %dma_wait3A_182 = arith.constant 0 : i32
    %dma_wait3A_183 = tpu.memref_slice %arg5[%dma_wait3A_181, %dma_wait3A_182] : memref<1000000x32xf32, #tpu.memory_space<hbm>> -> memref<1000000x32xf32, #tpu.memory_space<hbm>>
    tpu.wait_indirect_dma semaphore(%arg12 : memref<!tpu.dma_semaphore, #tpu.memory_space<semaphore_mem>>) src(%dma_wait3A_183 : memref<1000000x32xf32, #tpu.memory_space<hbm>>) dst(%dma_wait3A_177 : memref<128x32xf32, #tpu.memory_space<vmem>>)
    %iota3A = tpu.iota {dimensions = array<i32: 0>} : vector<16xi32>
    %broadcast_in_dim3A = arith.constant 1 : i32
    %broadcast_in_dim3A_184 = vector.broadcast %broadcast_in_dim3A : i32 to vector<16xi32>
    %xor3A = arith.constant 8 : i32
    %xor3A_185 = vector.broadcast %xor3A : i32 to vector<16xi32>
    %xor3A_186 = arith.xori %iota3A, %xor3A_185 : vector<16xi32>
    %xor3A_187 = arith.constant 4 : i32
    %xor3A_188 = vector.broadcast %xor3A_187 : i32 to vector<16xi32>
    %xor3A_189 = arith.xori %iota3A, %xor3A_188 : vector<16xi32>
    %xor3A_190 = arith.constant 2 : i32
    %xor3A_191 = vector.broadcast %xor3A_190 : i32 to vector<16xi32>
    %xor3A_192 = arith.xori %iota3A, %xor3A_191 : vector<16xi32>
    %xor3A_193 = arith.constant 1 : i32
    %xor3A_194 = vector.broadcast %xor3A_193 : i32 to vector<16xi32>
    %xor3A_195 = arith.xori %iota3A, %xor3A_194 : vector<16xi32>
    %scan3A = arith.constant 0 : i32
    %scan3A_196 = arith.constant 0 : i32
    %scan3A_197 = arith.constant 32 : i32
    %scan3A_198 = arith.addi %scan3A_196, %scan3A_197 : i32
    %scan3A_199 = arith.constant 1 : i32
    scf.for %scan3A_201 = %scan3A_196 to %scan3A_198 step %scan3A_199  : i32 {
      %mul3A_202 = arith.constant 16 : i32
      %mul3A_203 = arith.muli %scan3A_201, %mul3A_202 : i32
      %broadcast_in_dim3A_204 = arith.constant 0.000000e+00 : f32
      %broadcast_in_dim3A_205 = vector.broadcast %broadcast_in_dim3A_204 : f32 to vector<16xf32>
      %add3A_206 = arith.constant 0 : i32
      %add3A_207 = arith.addi %mul3A_203, %add3A_206 : i32
      %get3A = arith.index_cast %add3A_207 : i32 to index
      %get3A_208 = arith.constant 0 : index
      %get3A_209 = tpu.vector_load %arg9[%get3A, %get3A_208] {strides = array<i32>} : memref<512x32xf32, #tpu.memory_space<vmem>>, vector<1x16xf32>,
      %get3A_210 = vector.shape_cast %get3A_209 : vector<1x16xf32> to vector<16xf32>
      %get3A_211 = arith.index_cast %add3A_207 : i32 to index
      %get3A_212 = arith.constant 16 : index
      %get3A_213 = tpu.vector_load %arg9[%get3A_211, %get3A_212] {strides = array<i32>} : memref<512x32xf32, #tpu.memory_space<vmem>>, vector<1x16xf32>,
      %get3A_214 = vector.shape_cast %get3A_213 : vector<1x16xf32> to vector<16xf32>
      %get3A_215 = arith.index_cast %add3A_207 : i32 to index
      %get3A_216 = arith.constant 0 : index
      %get3A_217 = tpu.vector_load %arg10[%get3A_215, %get3A_216] {strides = array<i32>} : memref<512x32xf32, #tpu.memory_space<vmem>>, vector<1x16xf32>,
      %get3A_218 = vector.shape_cast %get3A_217 : vector<1x16xf32> to vector<16xf32>
      %get3A_219 = arith.index_cast %add3A_207 : i32 to index
      %get3A_220 = arith.constant 16 : index
      %get3A_221 = tpu.vector_load %arg10[%get3A_219, %get3A_220] {strides = array<i32>} : memref<512x32xf32, #tpu.memory_space<vmem>>, vector<1x16xf32>,
      %get3A_222 = vector.shape_cast %get3A_221 : vector<1x16xf32> to vector<16xf32>
      %mul3A_223 = arith.mulf %get3A_210, %get3A_218 : vector<16xf32>
      %mul3A_224 = arith.mulf %get3A_214, %get3A_222 : vector<16xf32>
      %add3A_225 = arith.addf %mul3A_223, %mul3A_224 : vector<16xf32>
      %broadcast_in_dim3A_226 = vector.shape_cast %xor3A_186 : vector<16xi32> to vector<16x1xi32>
      %gather3A = vector.shape_cast %broadcast_in_dim3A_226 : vector<16x1xi32> to vector<16xi32>
      %gather3A_227 = tpu.dynamic_gather %add3A_225[%gather3A] in [0] : vector<16xf32>, vector<16xi32> -> vector<16xf32>
      %add3A_228 = arith.addf %add3A_225, %gather3A_227 : vector<16xf32>
      %broadcast_in_dim3A_229 = vector.shape_cast %xor3A_189 : vector<16xi32> to vector<16x1xi32>
      %gather3A_230 = vector.shape_cast %broadcast_in_dim3A_229 : vector<16x1xi32> to vector<16xi32>
      %gather3A_231 = tpu.dynamic_gather %add3A_228[%gather3A_230] in [0] : vector<16xf32>, vector<16xi32> -> vector<16xf32>
      %add3A_232 = arith.addf %add3A_228, %gather3A_231 : vector<16xf32>
      %broadcast_in_dim3A_233 = vector.shape_cast %xor3A_192 : vector<16xi32> to vector<16x1xi32>
      %gather3A_234 = vector.shape_cast %broadcast_in_dim3A_233 : vector<16x1xi32> to vector<16xi32>
      %gather3A_235 = tpu.dynamic_gather %add3A_232[%gather3A_234] in [0] : vector<16xf32>, vector<16xi32> -> vector<16xf32>
      %add3A_236 = arith.addf %add3A_232, %gather3A_235 : vector<16xf32>
      %broadcast_in_dim3A_237 = vector.shape_cast %xor3A_195 : vector<16xi32> to vector<16x1xi32>
      %gather3A_238 = vector.shape_cast %broadcast_in_dim3A_237 : vector<16x1xi32> to vector<16xi32>
      %gather3A_239 = tpu.dynamic_gather %add3A_236[%gather3A_238] in [0] : vector<16xf32>, vector<16xi32> -> vector<16xf32>
      %add3A_240 = arith.addf %add3A_236, %gather3A_239 : vector<16xf32>
      %sub3A = arith.constant 0 : i32
      %sub3A_241 = vector.broadcast %sub3A : i32 to vector<16xi32>
      %sub3A_242 = arith.subi %iota3A, %sub3A_241 : vector<16xi32>
      %abs3A = math.absi %sub3A_242 : vector<16xi32>
      %min3A = arith.minsi %abs3A, %broadcast_in_dim3A_184 : vector<16xi32>
      %convert_element_type3A = arith.sitofp %min3A : vector<16xi32> to vector<16xf32>
      %mul3A_243 = arith.mulf %convert_element_type3A, %add3A_240 : vector<16xf32>
      %sub3A_244 = arith.subf %add3A_240, %mul3A_243 : vector<16xf32>
      %add3A_245 = arith.addf %broadcast_in_dim3A_205, %sub3A_244 : vector<16xf32>
      %add3A_246 = arith.constant 1 : i32
      %add3A_247 = arith.addi %mul3A_203, %add3A_246 : i32
      %get3A_248 = arith.index_cast %add3A_247 : i32 to index
      %get3A_249 = arith.constant 0 : index
      %get3A_250 = tpu.vector_load %arg9[%get3A_248, %get3A_249] {strides = array<i32>} : memref<512x32xf32, #tpu.memory_space<vmem>>, vector<1x16xf32>,
      %get3A_251 = vector.shape_cast %get3A_250 : vector<1x16xf32> to vector<16xf32>
      %get3A_252 = arith.index_cast %add3A_247 : i32 to index
      %get3A_253 = arith.constant 16 : index
      %get3A_254 = tpu.vector_load %arg9[%get3A_252, %get3A_253] {strides = array<i32>} : memref<512x32xf32, #tpu.memory_space<vmem>>, vector<1x16xf32>,
      %get3A_255 = vector.shape_cast %get3A_254 : vector<1x16xf32> to vector<16xf32>
      %get3A_256 = arith.index_cast %add3A_247 : i32 to index
      %get3A_257 = arith.constant 0 : index
      %get3A_258 = tpu.vector_load %arg10[%get3A_256, %get3A_257] {strides = array<i32>} : memref<512x32xf32, #tpu.memory_space<vmem>>, vector<1x16xf32>,
      %get3A_259 = vector.shape_cast %get3A_258 : vector<1x16xf32> to vector<16xf32>
      %get3A_260 = arith.index_cast %add3A_247 : i32 to index
      %get3A_261 = arith.constant 16 : index
      %get3A_262 = tpu.vector_load %arg10[%get3A_260, %get3A_261] {strides = array<i32>} : memref<512x32xf32, #tpu.memory_space<vmem>>, vector<1x16xf32>,
      %get3A_263 = vector.shape_cast %get3A_262 : vector<1x16xf32> to vector<16xf32>
      %mul3A_264 = arith.mulf %get3A_251, %get3A_259 : vector<16xf32>
      %mul3A_265 = arith.mulf %get3A_255, %get3A_263 : vector<16xf32>
      %add3A_266 = arith.addf %mul3A_264, %mul3A_265 : vector<16xf32>
      %broadcast_in_dim3A_267 = vector.shape_cast %xor3A_186 : vector<16xi32> to vector<16x1xi32>
      %gather3A_268 = vector.shape_cast %broadcast_in_dim3A_267 : vector<16x1xi32> to vector<16xi32>
      %gather3A_269 = tpu.dynamic_gather %add3A_266[%gather3A_268] in [0] : vector<16xf32>, vector<16xi32> -> vector<16xf32>
      %add3A_270 = arith.addf %add3A_266, %gather3A_269 : vector<16xf32>
      %broadcast_in_dim3A_271 = vector.shape_cast %xor3A_189 : vector<16xi32> to vector<16x1xi32>
      %gather3A_272 = vector.shape_cast %broadcast_in_dim3A_271 : vector<16x1xi32> to vector<16xi32>
      %gather3A_273 = tpu.dynamic_gather %add3A_270[%gather3A_272] in [0] : vector<16xf32>, vector<16xi32> -> vector<16xf32>
      %add3A_274 = arith.addf %add3A_270, %gather3A_273 : vector<16xf32>
      %broadcast_in_dim3A_275 = vector.shape_cast %xor3A_192 : vector<16xi32> to vector<16x1xi32>
      %gather3A_276 = vector.shape_cast %broadcast_in_dim3A_275 : vector<16x1xi32> to vector<16xi32>
      %gather3A_277 = tpu.dynamic_gather %add3A_274[%gather3A_276] in [0] : vector<16xf32>, vector<16xi32> -> vector<16xf32>
      %add3A_278 = arith.addf %add3A_274, %gather3A_277 : vector<16xf32>
      %broadcast_in_dim3A_279 = vector.shape_cast %xor3A_195 : vector<16xi32> to vector<16x1xi32>
      %gather3A_280 = vector.shape_cast %broadcast_in_dim3A_279 : vector<16x1xi32> to vector<16xi32>
      %gather3A_281 = tpu.dynamic_gather %add3A_278[%gather3A_280] in [0] : vector<16xf32>, vector<16xi32> -> vector<16xf32>
      %add3A_282 = arith.addf %add3A_278, %gather3A_281 : vector<16xf32>
      %sub3A_283 = arith.constant 1 : i32
      %sub3A_284 = vector.broadcast %sub3A_283 : i32 to vector<16xi32>
      %sub3A_285 = arith.subi %iota3A, %sub3A_284 : vector<16xi32>
      %abs3A_286 = math.absi %sub3A_285 : vector<16xi32>
      %min3A_287 = arith.minsi %abs3A_286, %broadcast_in_dim3A_184 : vector<16xi32>
      %convert_element_type3A_288 = arith.sitofp %min3A_287 : vector<16xi32> to vector<16xf32>
      %mul3A_289 = arith.mulf %convert_element_type3A_288, %add3A_282 : vector<16xf32>
      %sub3A_290 = arith.subf %add3A_282, %mul3A_289 : vector<16xf32>
      %add3A_291 = arith.addf %add3A_245, %sub3A_290 : vector<16xf32>
      %add3A_292 = arith.constant 2 : i32
      %add3A_293 = arith.addi %mul3A_203, %add3A_292 : i32
      %get3A_294 = arith.index_cast %add3A_293 : i32 to index
      %get3A_295 = arith.constant 0 : index
      %get3A_296 = tpu.vector_load %arg9[%get3A_294, %get3A_295] {strides = array<i32>} : memref<512x32xf32, #tpu.memory_space<vmem>>, vector<1x16xf32>,
      %get3A_297 = vector.shape_cast %get3A_296 : vector<1x16xf32> to vector<16xf32>
      %get3A_298 = arith.index_cast %add3A_293 : i32 to index
      %get3A_299 = arith.constant 16 : index
      %get3A_300 = tpu.vector_load %arg9[%get3A_298, %get3A_299] {strides = array<i32>} : memref<512x32xf32, #tpu.memory_space<vmem>>, vector<1x16xf32>,
      %get3A_301 = vector.shape_cast %get3A_300 : vector<1x16xf32> to vector<16xf32>
      %get3A_302 = arith.index_cast %add3A_293 : i32 to index
      %get3A_303 = arith.constant 0 : index
      %get3A_304 = tpu.vector_load %arg10[%get3A_302, %get3A_303] {strides = array<i32>} : memref<512x32xf32, #tpu.memory_space<vmem>>, vector<1x16xf32>,
      %get3A_305 = vector.shape_cast %get3A_304 : vector<1x16xf32> to vector<16xf32>
      %get3A_306 = arith.index_cast %add3A_293 : i32 to index
      %get3A_307 = arith.constant 16 : index
      %get3A_308 = tpu.vector_load %arg10[%get3A_306, %get3A_307] {strides = array<i32>} : memref<512x32xf32, #tpu.memory_space<vmem>>, vector<1x16xf32>,
      %get3A_309 = vector.shape_cast %get3A_308 : vector<1x16xf32> to vector<16xf32>
      %mul3A_310 = arith.mulf %get3A_297, %get3A_305 : vector<16xf32>
      %mul3A_311 = arith.mulf %get3A_301, %get3A_309 : vector<16xf32>
      %add3A_312 = arith.addf %mul3A_310, %mul3A_311 : vector<16xf32>
      %broadcast_in_dim3A_313 = vector.shape_cast %xor3A_186 : vector<16xi32> to vector<16x1xi32>
      %gather3A_314 = vector.shape_cast %broadcast_in_dim3A_313 : vector<16x1xi32> to vector<16xi32>
      %gather3A_315 = tpu.dynamic_gather %add3A_312[%gather3A_314] in [0] : vector<16xf32>, vector<16xi32> -> vector<16xf32>
      %add3A_316 = arith.addf %add3A_312, %gather3A_315 : vector<16xf32>
      %broadcast_in_dim3A_317 = vector.shape_cast %xor3A_189 : vector<16xi32> to vector<16x1xi32>
      %gather3A_318 = vector.shape_cast %broadcast_in_dim3A_317 : vector<16x1xi32> to vector<16xi32>
      %gather3A_319 = tpu.dynamic_gather %add3A_316[%gather3A_318] in [0] : vector<16xf32>, vector<16xi32> -> vector<16xf32>
      %add3A_320 = arith.addf %add3A_316, %gather3A_319 : vector<16xf32>
      %broadcast_in_dim3A_321 = vector.shape_cast %xor3A_192 : vector<16xi32> to vector<16x1xi32>
      %gather3A_322 = vector.shape_cast %broadcast_in_dim3A_321 : vector<16x1xi32> to vector<16xi32>
      %gather3A_323 = tpu.dynamic_gather %add3A_320[%gather3A_322] in [0] : vector<16xf32>, vector<16xi32> -> vector<16xf32>
      %add3A_324 = arith.addf %add3A_320, %gather3A_323 : vector<16xf32>
      %broadcast_in_dim3A_325 = vector.shape_cast %xor3A_195 : vector<16xi32> to vector<16x1xi32>
      %gather3A_326 = vector.shape_cast %broadcast_in_dim3A_325 : vector<16x1xi32> to vector<16xi32>
      %gather3A_327 = tpu.dynamic_gather %add3A_324[%gather3A_326] in [0] : vector<16xf32>, vector<16xi32> -> vector<16xf32>
      %add3A_328 = arith.addf %add3A_324, %gather3A_327 : vector<16xf32>
      %sub3A_329 = arith.constant 2 : i32
      %sub3A_330 = vector.broadcast %sub3A_329 : i32 to vector<16xi32>
      %sub3A_331 = arith.subi %iota3A, %sub3A_330 : vector<16xi32>
      %abs3A_332 = math.absi %sub3A_331 : vector<16xi32>
      %min3A_333 = arith.minsi %abs3A_332, %broadcast_in_dim3A_184 : vector<16xi32>
      %convert_element_type3A_334 = arith.sitofp %min3A_333 : vector<16xi32> to vector<16xf32>
      %mul3A_335 = arith.mulf %convert_element_type3A_334, %add3A_328 : vector<16xf32>
      %sub3A_336 = arith.subf %add3A_328, %mul3A_335 : vector<16xf32>
      %add3A_337 = arith.addf %add3A_291, %sub3A_336 : vector<16xf32>
      %add3A_338 = arith.constant 3 : i32
      %add3A_339 = arith.addi %mul3A_203, %add3A_338 : i32
      %get3A_340 = arith.index_cast %add3A_339 : i32 to index
      %get3A_341 = arith.constant 0 : index
      %get3A_342 = tpu.vector_load %arg9[%get3A_340, %get3A_341] {strides = array<i32>} : memref<512x32xf32, #tpu.memory_space<vmem>>, vector<1x16xf32>,
      %get3A_343 = vector.shape_cast %get3A_342 : vector<1x16xf32> to vector<16xf32>
      %get3A_344 = arith.index_cast %add3A_339 : i32 to index
      %get3A_345 = arith.constant 16 : index
      %get3A_346 = tpu.vector_load %arg9[%get3A_344, %get3A_345] {strides = array<i32>} : memref<512x32xf32, #tpu.memory_space<vmem>>, vector<1x16xf32>,
      %get3A_347 = vector.shape_cast %get3A_346 : vector<1x16xf32> to vector<16xf32>
      %get3A_348 = arith.index_cast %add3A_339 : i32 to index
      %get3A_349 = arith.constant 0 : index
      %get3A_350 = tpu.vector_load %arg10[%get3A_348, %get3A_349] {strides = array<i32>} : memref<512x32xf32, #tpu.memory_space<vmem>>, vector<1x16xf32>,
      %get3A_351 = vector.shape_cast %get3A_350 : vector<1x16xf32> to vector<16xf32>
      %get3A_352 = arith.index_cast %add3A_339 : i32 to index
      %get3A_353 = arith.constant 16 : index
      %get3A_354 = tpu.vector_load %arg10[%get3A_352, %get3A_353] {strides = array<i32>} : memref<512x32xf32, #tpu.memory_space<vmem>>, vector<1x16xf32>,
      %get3A_355 = vector.shape_cast %get3A_354 : vector<1x16xf32> to vector<16xf32>
      %mul3A_356 = arith.mulf %get3A_343, %get3A_351 : vector<16xf32>
      %mul3A_357 = arith.mulf %get3A_347, %get3A_355 : vector<16xf32>
      %add3A_358 = arith.addf %mul3A_356, %mul3A_357 : vector<16xf32>
      %broadcast_in_dim3A_359 = vector.shape_cast %xor3A_186 : vector<16xi32> to vector<16x1xi32>
      %gather3A_360 = vector.shape_cast %broadcast_in_dim3A_359 : vector<16x1xi32> to vector<16xi32>
      %gather3A_361 = tpu.dynamic_gather %add3A_358[%gather3A_360] in [0] : vector<16xf32>, vector<16xi32> -> vector<16xf32>
      %add3A_362 = arith.addf %add3A_358, %gather3A_361 : vector<16xf32>
      %broadcast_in_dim3A_363 = vector.shape_cast %xor3A_189 : vector<16xi32> to vector<16x1xi32>
      %gather3A_364 = vector.shape_cast %broadcast_in_dim3A_363 : vector<16x1xi32> to vector<16xi32>
      %gather3A_365 = tpu.dynamic_gather %add3A_362[%gather3A_364] in [0] : vector<16xf32>, vector<16xi32> -> vector<16xf32>
      %add3A_366 = arith.addf %add3A_362, %gather3A_365 : vector<16xf32>
      %broadcast_in_dim3A_367 = vector.shape_cast %xor3A_192 : vector<16xi32> to vector<16x1xi32>
      %gather3A_368 = vector.shape_cast %broadcast_in_dim3A_367 : vector<16x1xi32> to vector<16xi32>
      %gather3A_369 = tpu.dynamic_gather %add3A_366[%gather3A_368] in [0] : vector<16xf32>, vector<16xi32> -> vector<16xf32>
      %add3A_370 = arith.addf %add3A_366, %gather3A_369 : vector<16xf32>
      %broadcast_in_dim3A_371 = vector.shape_cast %xor3A_195 : vector<16xi32> to vector<16x1xi32>
      %gather3A_372 = vector.shape_cast %broadcast_in_dim3A_371 : vector<16x1xi32> to vector<16xi32>
      %gather3A_373 = tpu.dynamic_gather %add3A_370[%gather3A_372] in [0] : vector<16xf32>, vector<16xi32> -> vector<16xf32>
      %add3A_374 = arith.addf %add3A_370, %gather3A_373 : vector<16xf32>
      %sub3A_375 = arith.constant 3 : i32
      %sub3A_376 = vector.broadcast %sub3A_375 : i32 to vector<16xi32>
      %sub3A_377 = arith.subi %iota3A, %sub3A_376 : vector<16xi32>
      %abs3A_378 = math.absi %sub3A_377 : vector<16xi32>
      %min3A_379 = arith.minsi %abs3A_378, %broadcast_in_dim3A_184 : vector<16xi32>
      %convert_element_type3A_380 = arith.sitofp %min3A_379 : vector<16xi32> to vector<16xf32>
      %mul3A_381 = arith.mulf %convert_element_type3A_380, %add3A_374 : vector<16xf32>
      %sub3A_382 = arith.subf %add3A_374, %mul3A_381 : vector<16xf32>
      %add3A_383 = arith.addf %add3A_337, %sub3A_382 : vector<16xf32>
      %add3A_384 = arith.constant 4 : i32
      %add3A_385 = arith.addi %mul3A_203, %add3A_384 : i32
      %get3A_386 = arith.index_cast %add3A_385 : i32 to index
      %get3A_387 = arith.constant 0 : index
      %get3A_388 = tpu.vector_load %arg9[%get3A_386, %get3A_387] {strides = array<i32>} : memref<512x32xf32, #tpu.memory_space<vmem>>, vector<1x16xf32>,
      %get3A_389 = vector.shape_cast %get3A_388 : vector<1x16xf32> to vector<16xf32>
      %get3A_390 = arith.index_cast %add3A_385 : i32 to index
      %get3A_391 = arith.constant 16 : index
      %get3A_392 = tpu.vector_load %arg9[%get3A_390, %get3A_391] {strides = array<i32>} : memref<512x32xf32, #tpu.memory_space<vmem>>, vector<1x16xf32>,
      %get3A_393 = vector.shape_cast %get3A_392 : vector<1x16xf32> to vector<16xf32>
      %get3A_394 = arith.index_cast %add3A_385 : i32 to index
      %get3A_395 = arith.constant 0 : index
      %get3A_396 = tpu.vector_load %arg10[%get3A_394, %get3A_395] {strides = array<i32>} : memref<512x32xf32, #tpu.memory_space<vmem>>, vector<1x16xf32>,
      %get3A_397 = vector.shape_cast %get3A_396 : vector<1x16xf32> to vector<16xf32>
      %get3A_398 = arith.index_cast %add3A_385 : i32 to index
      %get3A_399 = arith.constant 16 : index
      %get3A_400 = tpu.vector_load %arg10[%get3A_398, %get3A_399] {strides = array<i32>} : memref<512x32xf32, #tpu.memory_space<vmem>>, vector<1x16xf32>,
      %get3A_401 = vector.shape_cast %get3A_400 : vector<1x16xf32> to vector<16xf32>
      %mul3A_402 = arith.mulf %get3A_389, %get3A_397 : vector<16xf32>
      %mul3A_403 = arith.mulf %get3A_393, %get3A_401 : vector<16xf32>
      %add3A_404 = arith.addf %mul3A_402, %mul3A_403 : vector<16xf32>
      %broadcast_in_dim3A_405 = vector.shape_cast %xor3A_186 : vector<16xi32> to vector<16x1xi32>
      %gather3A_406 = vector.shape_cast %broadcast_in_dim3A_405 : vector<16x1xi32> to vector<16xi32>
      %gather3A_407 = tpu.dynamic_gather %add3A_404[%gather3A_406] in [0] : vector<16xf32>, vector<16xi32> -> vector<16xf32>
      %add3A_408 = arith.addf %add3A_404, %gather3A_407 : vector<16xf32>
      %broadcast_in_dim3A_409 = vector.shape_cast %xor3A_189 : vector<16xi32> to vector<16x1xi32>
      %gather3A_410 = vector.shape_cast %broadcast_in_dim3A_409 : vector<16x1xi32> to vector<16xi32>
      %gather3A_411 = tpu.dynamic_gather %add3A_408[%gather3A_410] in [0] : vector<16xf32>, vector<16xi32> -> vector<16xf32>
      %add3A_412 = arith.addf %add3A_408, %gather3A_411 : vector<16xf32>
      %broadcast_in_dim3A_413 = vector.shape_cast %xor3A_192 : vector<16xi32> to vector<16x1xi32>
      %gather3A_414 = vector.shape_cast %broadcast_in_dim3A_413 : vector<16x1xi32> to vector<16xi32>
      %gather3A_415 = tpu.dynamic_gather %add3A_412[%gather3A_414] in [0] : vector<16xf32>, vector<16xi32> -> vector<16xf32>
      %add3A_416 = arith.addf %add3A_412, %gather3A_415 : vector<16xf32>
      %broadcast_in_dim3A_417 = vector.shape_cast %xor3A_195 : vector<16xi32> to vector<16x1xi32>
      %gather3A_418 = vector.shape_cast %broadcast_in_dim3A_417 : vector<16x1xi32> to vector<16xi32>
      %gather3A_419 = tpu.dynamic_gather %add3A_416[%gather3A_418] in [0] : vector<16xf32>, vector<16xi32> -> vector<16xf32>
      %add3A_420 = arith.addf %add3A_416, %gather3A_419 : vector<16xf32>
      %sub3A_421 = arith.constant 4 : i32
      %sub3A_422 = vector.broadcast %sub3A_421 : i32 to vector<16xi32>
      %sub3A_423 = arith.subi %iota3A, %sub3A_422 : vector<16xi32>
      %abs3A_424 = math.absi %sub3A_423 : vector<16xi32>
      %min3A_425 = arith.minsi %abs3A_424, %broadcast_in_dim3A_184 : vector<16xi32>
      %convert_element_type3A_426 = arith.sitofp %min3A_425 : vector<16xi32> to vector<16xf32>
      %mul3A_427 = arith.mulf %convert_element_type3A_426, %add3A_420 : vector<16xf32>
      %sub3A_428 = arith.subf %add3A_420, %mul3A_427 : vector<16xf32>
      %add3A_429 = arith.addf %add3A_383, %sub3A_428 : vector<16xf32>
      %add3A_430 = arith.constant 5 : i32
      %add3A_431 = arith.addi %mul3A_203, %add3A_430 : i32
      %get3A_432 = arith.index_cast %add3A_431 : i32 to index
      %get3A_433 = arith.constant 0 : index
      %get3A_434 = tpu.vector_load %arg9[%get3A_432, %get3A_433] {strides = array<i32>} : memref<512x32xf32, #tpu.memory_space<vmem>>, vector<1x16xf32>,
      %get3A_435 = vector.shape_cast %get3A_434 : vector<1x16xf32> to vector<16xf32>
      %get3A_436 = arith.index_cast %add3A_431 : i32 to index
      %get3A_437 = arith.constant 16 : index
      %get3A_438 = tpu.vector_load %arg9[%get3A_436, %get3A_437] {strides = array<i32>} : memref<512x32xf32, #tpu.memory_space<vmem>>, vector<1x16xf32>,
      %get3A_439 = vector.shape_cast %get3A_438 : vector<1x16xf32> to vector<16xf32>
      %get3A_440 = arith.index_cast %add3A_431 : i32 to index
      %get3A_441 = arith.constant 0 : index
      %get3A_442 = tpu.vector_load %arg10[%get3A_440, %get3A_441] {strides = array<i32>} : memref<512x32xf32, #tpu.memory_space<vmem>>, vector<1x16xf32>,
      %get3A_443 = vector.shape_cast %get3A_442 : vector<1x16xf32> to vector<16xf32>
      %get3A_444 = arith.index_cast %add3A_431 : i32 to index
      %get3A_445 = arith.constant 16 : index
      %get3A_446 = tpu.vector_load %arg10[%get3A_444, %get3A_445] {strides = array<i32>} : memref<512x32xf32, #tpu.memory_space<vmem>>, vector<1x16xf32>,
      %get3A_447 = vector.shape_cast %get3A_446 : vector<1x16xf32> to vector<16xf32>
      %mul3A_448 = arith.mulf %get3A_435, %get3A_443 : vector<16xf32>
      %mul3A_449 = arith.mulf %get3A_439, %get3A_447 : vector<16xf32>
      %add3A_450 = arith.addf %mul3A_448, %mul3A_449 : vector<16xf32>
      %broadcast_in_dim3A_451 = vector.shape_cast %xor3A_186 : vector<16xi32> to vector<16x1xi32>
      %gather3A_452 = vector.shape_cast %broadcast_in_dim3A_451 : vector<16x1xi32> to vector<16xi32>
      %gather3A_453 = tpu.dynamic_gather %add3A_450[%gather3A_452] in [0] : vector<16xf32>, vector<16xi32> -> vector<16xf32>
      %add3A_454 = arith.addf %add3A_450, %gather3A_453 : vector<16xf32>
      %broadcast_in_dim3A_455 = vector.shape_cast %xor3A_189 : vector<16xi32> to vector<16x1xi32>
      %gather3A_456 = vector.shape_cast %broadcast_in_dim3A_455 : vector<16x1xi32> to vector<16xi32>
      %gather3A_457 = tpu.dynamic_gather %add3A_454[%gather3A_456] in [0] : vector<16xf32>, vector<16xi32> -> vector<16xf32>
      %add3A_458 = arith.addf %add3A_454, %gather3A_457 : vector<16xf32>
      %broadcast_in_dim3A_459 = vector.shape_cast %xor3A_192 : vector<16xi32> to vector<16x1xi32>
      %gather3A_460 = vector.shape_cast %broadcast_in_dim3A_459 : vector<16x1xi32> to vector<16xi32>
      %gather3A_461 = tpu.dynamic_gather %add3A_458[%gather3A_460] in [0] : vector<16xf32>, vector<16xi32> -> vector<16xf32>
      %add3A_462 = arith.addf %add3A_458, %gather3A_461 : vector<16xf32>
      %broadcast_in_dim3A_463 = vector.shape_cast %xor3A_195 : vector<16xi32> to vector<16x1xi32>
      %gather3A_464 = vector.shape_cast %broadcast_in_dim3A_463 : vector<16x1xi32> to vector<16xi32>
      %gather3A_465 = tpu.dynamic_gather %add3A_462[%gather3A_464] in [0] : vector<16xf32>, vector<16xi32> -> vector<16xf32>
      %add3A_466 = arith.addf %add3A_462, %gather3A_465 : vector<16xf32>
      %sub3A_467 = arith.constant 5 : i32
      %sub3A_468 = vector.broadcast %sub3A_467 : i32 to vector<16xi32>
      %sub3A_469 = arith.subi %iota3A, %sub3A_468 : vector<16xi32>
      %abs3A_470 = math.absi %sub3A_469 : vector<16xi32>
      %min3A_471 = arith.minsi %abs3A_470, %broadcast_in_dim3A_184 : vector<16xi32>
      %convert_element_type3A_472 = arith.sitofp %min3A_471 : vector<16xi32> to vector<16xf32>
      %mul3A_473 = arith.mulf %convert_element_type3A_472, %add3A_466 : vector<16xf32>
      %sub3A_474 = arith.subf %add3A_466, %mul3A_473 : vector<16xf32>
      %add3A_475 = arith.addf %add3A_429, %sub3A_474 : vector<16xf32>
      %add3A_476 = arith.constant 6 : i32
      %add3A_477 = arith.addi %mul3A_203, %add3A_476 : i32
      %get3A_478 = arith.index_cast %add3A_477 : i32 to index
      %get3A_479 = arith.constant 0 : index
      %get3A_480 = tpu.vector_load %arg9[%get3A_478, %get3A_479] {strides = array<i32>} : memref<512x32xf32, #tpu.memory_space<vmem>>, vector<1x16xf32>,
      %get3A_481 = vector.shape_cast %get3A_480 : vector<1x16xf32> to vector<16xf32>
      %get3A_482 = arith.index_cast %add3A_477 : i32 to index
      %get3A_483 = arith.constant 16 : index
      %get3A_484 = tpu.vector_load %arg9[%get3A_482, %get3A_483] {strides = array<i32>} : memref<512x32xf32, #tpu.memory_space<vmem>>, vector<1x16xf32>,
      %get3A_485 = vector.shape_cast %get3A_484 : vector<1x16xf32> to vector<16xf32>
      %get3A_486 = arith.index_cast %add3A_477 : i32 to index
      %get3A_487 = arith.constant 0 : index
      %get3A_488 = tpu.vector_load %arg10[%get3A_486, %get3A_487] {strides = array<i32>} : memref<512x32xf32, #tpu.memory_space<vmem>>, vector<1x16xf32>,
      %get3A_489 = vector.shape_cast %get3A_488 : vector<1x16xf32> to vector<16xf32>
      %get3A_490 = arith.index_cast %add3A_477 : i32 to index
      %get3A_491 = arith.constant 16 : index
      %get3A_492 = tpu.vector_load %arg10[%get3A_490, %get3A_491] {strides = array<i32>} : memref<512x32xf32, #tpu.memory_space<vmem>>, vector<1x16xf32>,
      %get3A_493 = vector.shape_cast %get3A_492 : vector<1x16xf32> to vector<16xf32>
      %mul3A_494 = arith.mulf %get3A_481, %get3A_489 : vector<16xf32>
      %mul3A_495 = arith.mulf %get3A_485, %get3A_493 : vector<16xf32>
      %add3A_496 = arith.addf %mul3A_494, %mul3A_495 : vector<16xf32>
      %broadcast_in_dim3A_497 = vector.shape_cast %xor3A_186 : vector<16xi32> to vector<16x1xi32>
      %gather3A_498 = vector.shape_cast %broadcast_in_dim3A_497 : vector<16x1xi32> to vector<16xi32>
      %gather3A_499 = tpu.dynamic_gather %add3A_496[%gather3A_498] in [0] : vector<16xf32>, vector<16xi32> -> vector<16xf32>
      %add3A_500 = arith.addf %add3A_496, %gather3A_499 : vector<16xf32>
      %broadcast_in_dim3A_501 = vector.shape_cast %xor3A_189 : vector<16xi32> to vector<16x1xi32>
      %gather3A_502 = vector.shape_cast %broadcast_in_dim3A_501 : vector<16x1xi32> to vector<16xi32>
      %gather3A_503 = tpu.dynamic_gather %add3A_500[%gather3A_502] in [0] : vector<16xf32>, vector<16xi32> -> vector<16xf32>
      %add3A_504 = arith.addf %add3A_500, %gather3A_503 : vector<16xf32>
      %broadcast_in_dim3A_505 = vector.shape_cast %xor3A_192 : vector<16xi32> to vector<16x1xi32>
      %gather3A_506 = vector.shape_cast %broadcast_in_dim3A_505 : vector<16x1xi32> to vector<16xi32>
      %gather3A_507 = tpu.dynamic_gather %add3A_504[%gather3A_506] in [0] : vector<16xf32>, vector<16xi32> -> vector<16xf32>
      %add3A_508 = arith.addf %add3A_504, %gather3A_507 : vector<16xf32>
      %broadcast_in_dim3A_509 = vector.shape_cast %xor3A_195 : vector<16xi32> to vector<16x1xi32>
      %gather3A_510 = vector.shape_cast %broadcast_in_dim3A_509 : vector<16x1xi32> to vector<16xi32>
      %gather3A_511 = tpu.dynamic_gather %add3A_508[%gather3A_510] in [0] : vector<16xf32>, vector<16xi32> -> vector<16xf32>
      %add3A_512 = arith.addf %add3A_508, %gather3A_511 : vector<16xf32>
      %sub3A_513 = arith.constant 6 : i32
      %sub3A_514 = vector.broadcast %sub3A_513 : i32 to vector<16xi32>
      %sub3A_515 = arith.subi %iota3A, %sub3A_514 : vector<16xi32>
      %abs3A_516 = math.absi %sub3A_515 : vector<16xi32>
      %min3A_517 = arith.minsi %abs3A_516, %broadcast_in_dim3A_184 : vector<16xi32>
      %convert_element_type3A_518 = arith.sitofp %min3A_517 : vector<16xi32> to vector<16xf32>
      %mul3A_519 = arith.mulf %convert_element_type3A_518, %add3A_512 : vector<16xf32>
      %sub3A_520 = arith.subf %add3A_512, %mul3A_519 : vector<16xf32>
      %add3A_521 = arith.addf %add3A_475, %sub3A_520 : vector<16xf32>
      %add3A_522 = arith.constant 7 : i32
      %add3A_523 = arith.addi %mul3A_203, %add3A_522 : i32
      %get3A_524 = arith.index_cast %add3A_523 : i32 to index
      %get3A_525 = arith.constant 0 : index
      %get3A_526 = tpu.vector_load %arg9[%get3A_524, %get3A_525] {strides = array<i32>} : memref<512x32xf32, #tpu.memory_space<vmem>>, vector<1x16xf32>,
      %get3A_527 = vector.shape_cast %get3A_526 : vector<1x16xf32> to vector<16xf32>
      %get3A_528 = arith.index_cast %add3A_523 : i32 to index
      %get3A_529 = arith.constant 16 : index
      %get3A_530 = tpu.vector_load %arg9[%get3A_528, %get3A_529] {strides = array<i32>} : memref<512x32xf32, #tpu.memory_space<vmem>>, vector<1x16xf32>,
      %get3A_531 = vector.shape_cast %get3A_530 : vector<1x16xf32> to vector<16xf32>
      %get3A_532 = arith.index_cast %add3A_523 : i32 to index
      %get3A_533 = arith.constant 0 : index
      %get3A_534 = tpu.vector_load %arg10[%get3A_532, %get3A_533] {strides = array<i32>} : memref<512x32xf32, #tpu.memory_space<vmem>>, vector<1x16xf32>,
      %get3A_535 = vector.shape_cast %get3A_534 : vector<1x16xf32> to vector<16xf32>
      %get3A_536 = arith.index_cast %add3A_523 : i32 to index
      %get3A_537 = arith.constant 16 : index
      %get3A_538 = tpu.vector_load %arg10[%get3A_536, %get3A_537] {strides = array<i32>} : memref<512x32xf32, #tpu.memory_space<vmem>>, vector<1x16xf32>,
      %get3A_539 = vector.shape_cast %get3A_538 : vector<1x16xf32> to vector<16xf32>
      %mul3A_540 = arith.mulf %get3A_527, %get3A_535 : vector<16xf32>
      %mul3A_541 = arith.mulf %get3A_531, %get3A_539 : vector<16xf32>
      %add3A_542 = arith.addf %mul3A_540, %mul3A_541 : vector<16xf32>
      %broadcast_in_dim3A_543 = vector.shape_cast %xor3A_186 : vector<16xi32> to vector<16x1xi32>
      %gather3A_544 = vector.shape_cast %broadcast_in_dim3A_543 : vector<16x1xi32> to vector<16xi32>
      %gather3A_545 = tpu.dynamic_gather %add3A_542[%gather3A_544] in [0] : vector<16xf32>, vector<16xi32> -> vector<16xf32>
      %add3A_546 = arith.addf %add3A_542, %gather3A_545 : vector<16xf32>
      %broadcast_in_dim3A_547 = vector.shape_cast %xor3A_189 : vector<16xi32> to vector<16x1xi32>
      %gather3A_548 = vector.shape_cast %broadcast_in_dim3A_547 : vector<16x1xi32> to vector<16xi32>
      %gather3A_549 = tpu.dynamic_gather %add3A_546[%gather3A_548] in [0] : vector<16xf32>, vector<16xi32> -> vector<16xf32>
      %add3A_550 = arith.addf %add3A_546, %gather3A_549 : vector<16xf32>
      %broadcast_in_dim3A_551 = vector.shape_cast %xor3A_192 : vector<16xi32> to vector<16x1xi32>
      %gather3A_552 = vector.shape_cast %broadcast_in_dim3A_551 : vector<16x1xi32> to vector<16xi32>
      %gather3A_553 = tpu.dynamic_gather %add3A_550[%gather3A_552] in [0] : vector<16xf32>, vector<16xi32> -> vector<16xf32>
      %add3A_554 = arith.addf %add3A_550, %gather3A_553 : vector<16xf32>
      %broadcast_in_dim3A_555 = vector.shape_cast %xor3A_195 : vector<16xi32> to vector<16x1xi32>
      %gather3A_556 = vector.shape_cast %broadcast_in_dim3A_555 : vector<16x1xi32> to vector<16xi32>
      %gather3A_557 = tpu.dynamic_gather %add3A_554[%gather3A_556] in [0] : vector<16xf32>, vector<16xi32> -> vector<16xf32>
      %add3A_558 = arith.addf %add3A_554, %gather3A_557 : vector<16xf32>
      %sub3A_559 = arith.constant 7 : i32
      %sub3A_560 = vector.broadcast %sub3A_559 : i32 to vector<16xi32>
      %sub3A_561 = arith.subi %iota3A, %sub3A_560 : vector<16xi32>
      %abs3A_562 = math.absi %sub3A_561 : vector<16xi32>
      %min3A_563 = arith.minsi %abs3A_562, %broadcast_in_dim3A_184 : vector<16xi32>
      %convert_element_type3A_564 = arith.sitofp %min3A_563 : vector<16xi32> to vector<16xf32>
      %mul3A_565 = arith.mulf %convert_element_type3A_564, %add3A_558 : vector<16xf32>
      %sub3A_566 = arith.subf %add3A_558, %mul3A_565 : vector<16xf32>
      %add3A_567 = arith.addf %add3A_521, %sub3A_566 : vector<16xf32>
      %add3A_568 = arith.constant 8 : i32
      %add3A_569 = arith.addi %mul3A_203, %add3A_568 : i32
      %get3A_570 = arith.index_cast %add3A_569 : i32 to index
      %get3A_571 = arith.constant 0 : index
      %get3A_572 = tpu.vector_load %arg9[%get3A_570, %get3A_571] {strides = array<i32>} : memref<512x32xf32, #tpu.memory_space<vmem>>, vector<1x16xf32>,
      %get3A_573 = vector.shape_cast %get3A_572 : vector<1x16xf32> to vector<16xf32>
      %get3A_574 = arith.index_cast %add3A_569 : i32 to index
      %get3A_575 = arith.constant 16 : index
      %get3A_576 = tpu.vector_load %arg9[%get3A_574, %get3A_575] {strides = array<i32>} : memref<512x32xf32, #tpu.memory_space<vmem>>, vector<1x16xf32>,
      %get3A_577 = vector.shape_cast %get3A_576 : vector<1x16xf32> to vector<16xf32>
      %get3A_578 = arith.index_cast %add3A_569 : i32 to index
      %get3A_579 = arith.constant 0 : index
      %get3A_580 = tpu.vector_load %arg10[%get3A_578, %get3A_579] {strides = array<i32>} : memref<512x32xf32, #tpu.memory_space<vmem>>, vector<1x16xf32>,
      %get3A_581 = vector.shape_cast %get3A_580 : vector<1x16xf32> to vector<16xf32>
      %get3A_582 = arith.index_cast %add3A_569 : i32 to index
      %get3A_583 = arith.constant 16 : index
      %get3A_584 = tpu.vector_load %arg10[%get3A_582, %get3A_583] {strides = array<i32>} : memref<512x32xf32, #tpu.memory_space<vmem>>, vector<1x16xf32>,
      %get3A_585 = vector.shape_cast %get3A_584 : vector<1x16xf32> to vector<16xf32>
      %mul3A_586 = arith.mulf %get3A_573, %get3A_581 : vector<16xf32>
      %mul3A_587 = arith.mulf %get3A_577, %get3A_585 : vector<16xf32>
      %add3A_588 = arith.addf %mul3A_586, %mul3A_587 : vector<16xf32>
      %broadcast_in_dim3A_589 = vector.shape_cast %xor3A_186 : vector<16xi32> to vector<16x1xi32>
      %gather3A_590 = vector.shape_cast %broadcast_in_dim3A_589 : vector<16x1xi32> to vector<16xi32>
      %gather3A_591 = tpu.dynamic_gather %add3A_588[%gather3A_590] in [0] : vector<16xf32>, vector<16xi32> -> vector<16xf32>
      %add3A_592 = arith.addf %add3A_588, %gather3A_591 : vector<16xf32>
      %broadcast_in_dim3A_593 = vector.shape_cast %xor3A_189 : vector<16xi32> to vector<16x1xi32>
      %gather3A_594 = vector.shape_cast %broadcast_in_dim3A_593 : vector<16x1xi32> to vector<16xi32>
      %gather3A_595 = tpu.dynamic_gather %add3A_592[%gather3A_594] in [0] : vector<16xf32>, vector<16xi32> -> vector<16xf32>
      %add3A_596 = arith.addf %add3A_592, %gather3A_595 : vector<16xf32>
      %broadcast_in_dim3A_597 = vector.shape_cast %xor3A_192 : vector<16xi32> to vector<16x1xi32>
      %gather3A_598 = vector.shape_cast %broadcast_in_dim3A_597 : vector<16x1xi32> to vector<16xi32>
      %gather3A_599 = tpu.dynamic_gather %add3A_596[%gather3A_598] in [0] : vector<16xf32>, vector<16xi32> -> vector<16xf32>
      %add3A_600 = arith.addf %add3A_596, %gather3A_599 : vector<16xf32>
      %broadcast_in_dim3A_601 = vector.shape_cast %xor3A_195 : vector<16xi32> to vector<16x1xi32>
      %gather3A_602 = vector.shape_cast %broadcast_in_dim3A_601 : vector<16x1xi32> to vector<16xi32>
      %gather3A_603 = tpu.dynamic_gather %add3A_600[%gather3A_602] in [0] : vector<16xf32>, vector<16xi32> -> vector<16xf32>
      %add3A_604 = arith.addf %add3A_600, %gather3A_603 : vector<16xf32>
      %sub3A_605 = arith.constant 8 : i32
      %sub3A_606 = vector.broadcast %sub3A_605 : i32 to vector<16xi32>
      %sub3A_607 = arith.subi %iota3A, %sub3A_606 : vector<16xi32>
      %abs3A_608 = math.absi %sub3A_607 : vector<16xi32>
      %min3A_609 = arith.minsi %abs3A_608, %broadcast_in_dim3A_184 : vector<16xi32>
      %convert_element_type3A_610 = arith.sitofp %min3A_609 : vector<16xi32> to vector<16xf32>
      %mul3A_611 = arith.mulf %convert_element_type3A_610, %add3A_604 : vector<16xf32>
      %sub3A_612 = arith.subf %add3A_604, %mul3A_611 : vector<16xf32>
      %add3A_613 = arith.addf %add3A_567, %sub3A_612 : vector<16xf32>
      %add3A_614 = arith.constant 9 : i32
      %add3A_615 = arith.addi %mul3A_203, %add3A_614 : i32
      %get3A_616 = arith.index_cast %add3A_615 : i32 to index
      %get3A_617 = arith.constant 0 : index
      %get3A_618 = tpu.vector_load %arg9[%get3A_616, %get3A_617] {strides = array<i32>} : memref<512x32xf32, #tpu.memory_space<vmem>>, vector<1x16xf32>,
      %get3A_619 = vector.shape_cast %get3A_618 : vector<1x16xf32> to vector<16xf32>
      %get3A_620 = arith.index_cast %add3A_615 : i32 to index
      %get3A_621 = arith.constant 16 : index
      %get3A_622 = tpu.vector_load %arg9[%get3A_620, %get3A_621] {strides = array<i32>} : memref<512x32xf32, #tpu.memory_space<vmem>>, vector<1x16xf32>,
      %get3A_623 = vector.shape_cast %get3A_622 : vector<1x16xf32> to vector<16xf32>
      %get3A_624 = arith.index_cast %add3A_615 : i32 to index
      %get3A_625 = arith.constant 0 : index
      %get3A_626 = tpu.vector_load %arg10[%get3A_624, %get3A_625] {strides = array<i32>} : memref<512x32xf32, #tpu.memory_space<vmem>>, vector<1x16xf32>,
      %get3A_627 = vector.shape_cast %get3A_626 : vector<1x16xf32> to vector<16xf32>
      %get3A_628 = arith.index_cast %add3A_615 : i32 to index
      %get3A_629 = arith.constant 16 : index
      %get3A_630 = tpu.vector_load %arg10[%get3A_628, %get3A_629] {strides = array<i32>} : memref<512x32xf32, #tpu.memory_space<vmem>>, vector<1x16xf32>,
      %get3A_631 = vector.shape_cast %get3A_630 : vector<1x16xf32> to vector<16xf32>
      %mul3A_632 = arith.mulf %get3A_619, %get3A_627 : vector<16xf32>
      %mul3A_633 = arith.mulf %get3A_623, %get3A_631 : vector<16xf32>
      %add3A_634 = arith.addf %mul3A_632, %mul3A_633 : vector<16xf32>
      %broadcast_in_dim3A_635 = vector.shape_cast %xor3A_186 : vector<16xi32> to vector<16x1xi32>
      %gather3A_636 = vector.shape_cast %broadcast_in_dim3A_635 : vector<16x1xi32> to vector<16xi32>
      %gather3A_637 = tpu.dynamic_gather %add3A_634[%gather3A_636] in [0] : vector<16xf32>, vector<16xi32> -> vector<16xf32>
      %add3A_638 = arith.addf %add3A_634, %gather3A_637 : vector<16xf32>
      %broadcast_in_dim3A_639 = vector.shape_cast %xor3A_189 : vector<16xi32> to vector<16x1xi32>
      %gather3A_640 = vector.shape_cast %broadcast_in_dim3A_639 : vector<16x1xi32> to vector<16xi32>
      %gather3A_641 = tpu.dynamic_gather %add3A_638[%gather3A_640] in [0] : vector<16xf32>, vector<16xi32> -> vector<16xf32>
      %add3A_642 = arith.addf %add3A_638, %gather3A_641 : vector<16xf32>
      %broadcast_in_dim3A_643 = vector.shape_cast %xor3A_192 : vector<16xi32> to vector<16x1xi32>
      %gather3A_644 = vector.shape_cast %broadcast_in_dim3A_643 : vector<16x1xi32> to vector<16xi32>
      %gather3A_645 = tpu.dynamic_gather %add3A_642[%gather3A_644] in [0] : vector<16xf32>, vector<16xi32> -> vector<16xf32>
      %add3A_646 = arith.addf %add3A_642, %gather3A_645 : vector<16xf32>
      %broadcast_in_dim3A_647 = vector.shape_cast %xor3A_195 : vector<16xi32> to vector<16x1xi32>
      %gather3A_648 = vector.shape_cast %broadcast_in_dim3A_647 : vector<16x1xi32> to vector<16xi32>
      %gather3A_649 = tpu.dynamic_gather %add3A_646[%gather3A_648] in [0] : vector<16xf32>, vector<16xi32> -> vector<16xf32>
      %add3A_650 = arith.addf %add3A_646, %gather3A_649 : vector<16xf32>
      %sub3A_651 = arith.constant 9 : i32
      %sub3A_652 = vector.broadcast %sub3A_651 : i32 to vector<16xi32>
      %sub3A_653 = arith.subi %iota3A, %sub3A_652 : vector<16xi32>
      %abs3A_654 = math.absi %sub3A_653 : vector<16xi32>
      %min3A_655 = arith.minsi %abs3A_654, %broadcast_in_dim3A_184 : vector<16xi32>
      %convert_element_type3A_656 = arith.sitofp %min3A_655 : vector<16xi32> to vector<16xf32>
      %mul3A_657 = arith.mulf %convert_element_type3A_656, %add3A_650 : vector<16xf32>
      %sub3A_658 = arith.subf %add3A_650, %mul3A_657 : vector<16xf32>
      %add3A_659 = arith.addf %add3A_613, %sub3A_658 : vector<16xf32>
      %add3A_660 = arith.constant 10 : i32
      %add3A_661 = arith.addi %mul3A_203, %add3A_660 : i32
      %get3A_662 = arith.index_cast %add3A_661 : i32 to index
      %get3A_663 = arith.constant 0 : index
      %get3A_664 = tpu.vector_load %arg9[%get3A_662, %get3A_663] {strides = array<i32>} : memref<512x32xf32, #tpu.memory_space<vmem>>, vector<1x16xf32>,
      %get3A_665 = vector.shape_cast %get3A_664 : vector<1x16xf32> to vector<16xf32>
      %get3A_666 = arith.index_cast %add3A_661 : i32 to index
      %get3A_667 = arith.constant 16 : index
      %get3A_668 = tpu.vector_load %arg9[%get3A_666, %get3A_667] {strides = array<i32>} : memref<512x32xf32, #tpu.memory_space<vmem>>, vector<1x16xf32>,
      %get3A_669 = vector.shape_cast %get3A_668 : vector<1x16xf32> to vector<16xf32>
      %get3A_670 = arith.index_cast %add3A_661 : i32 to index
      %get3A_671 = arith.constant 0 : index
      %get3A_672 = tpu.vector_load %arg10[%get3A_670, %get3A_671] {strides = array<i32>} : memref<512x32xf32, #tpu.memory_space<vmem>>, vector<1x16xf32>,
      %get3A_673 = vector.shape_cast %get3A_672 : vector<1x16xf32> to vector<16xf32>
      %get3A_674 = arith.index_cast %add3A_661 : i32 to index
      %get3A_675 = arith.constant 16 : index
      %get3A_676 = tpu.vector_load %arg10[%get3A_674, %get3A_675] {strides = array<i32>} : memref<512x32xf32, #tpu.memory_space<vmem>>, vector<1x16xf32>,
      %get3A_677 = vector.shape_cast %get3A_676 : vector<1x16xf32> to vector<16xf32>
      %mul3A_678 = arith.mulf %get3A_665, %get3A_673 : vector<16xf32>
      %mul3A_679 = arith.mulf %get3A_669, %get3A_677 : vector<16xf32>
      %add3A_680 = arith.addf %mul3A_678, %mul3A_679 : vector<16xf32>
      %broadcast_in_dim3A_681 = vector.shape_cast %xor3A_186 : vector<16xi32> to vector<16x1xi32>
      %gather3A_682 = vector.shape_cast %broadcast_in_dim3A_681 : vector<16x1xi32> to vector<16xi32>
      %gather3A_683 = tpu.dynamic_gather %add3A_680[%gather3A_682] in [0] : vector<16xf32>, vector<16xi32> -> vector<16xf32>
      %add3A_684 = arith.addf %add3A_680, %gather3A_683 : vector<16xf32>
      %broadcast_in_dim3A_685 = vector.shape_cast %xor3A_189 : vector<16xi32> to vector<16x1xi32>
      %gather3A_686 = vector.shape_cast %broadcast_in_dim3A_685 : vector<16x1xi32> to vector<16xi32>
      %gather3A_687 = tpu.dynamic_gather %add3A_684[%gather3A_686] in [0] : vector<16xf32>, vector<16xi32> -> vector<16xf32>
      %add3A_688 = arith.addf %add3A_684, %gather3A_687 : vector<16xf32>
      %broadcast_in_dim3A_689 = vector.shape_cast %xor3A_192 : vector<16xi32> to vector<16x1xi32>
      %gather3A_690 = vector.shape_cast %broadcast_in_dim3A_689 : vector<16x1xi32> to vector<16xi32>
      %gather3A_691 = tpu.dynamic_gather %add3A_688[%gather3A_690] in [0] : vector<16xf32>, vector<16xi32> -> vector<16xf32>
      %add3A_692 = arith.addf %add3A_688, %gather3A_691 : vector<16xf32>
      %broadcast_in_dim3A_693 = vector.shape_cast %xor3A_195 : vector<16xi32> to vector<16x1xi32>
      %gather3A_694 = vector.shape_cast %broadcast_in_dim3A_693 : vector<16x1xi32> to vector<16xi32>
      %gather3A_695 = tpu.dynamic_gather %add3A_692[%gather3A_694] in [0] : vector<16xf32>, vector<16xi32> -> vector<16xf32>
      %add3A_696 = arith.addf %add3A_692, %gather3A_695 : vector<16xf32>
      %sub3A_697 = arith.constant 10 : i32
      %sub3A_698 = vector.broadcast %sub3A_697 : i32 to vector<16xi32>
      %sub3A_699 = arith.subi %iota3A, %sub3A_698 : vector<16xi32>
      %abs3A_700 = math.absi %sub3A_699 : vector<16xi32>
      %min3A_701 = arith.minsi %abs3A_700, %broadcast_in_dim3A_184 : vector<16xi32>
      %convert_element_type3A_702 = arith.sitofp %min3A_701 : vector<16xi32> to vector<16xf32>
      %mul3A_703 = arith.mulf %convert_element_type3A_702, %add3A_696 : vector<16xf32>
      %sub3A_704 = arith.subf %add3A_696, %mul3A_703 : vector<16xf32>
      %add3A_705 = arith.addf %add3A_659, %sub3A_704 : vector<16xf32>
      %add3A_706 = arith.constant 11 : i32
      %add3A_707 = arith.addi %mul3A_203, %add3A_706 : i32
      %get3A_708 = arith.index_cast %add3A_707 : i32 to index
      %get3A_709 = arith.constant 0 : index
      %get3A_710 = tpu.vector_load %arg9[%get3A_708, %get3A_709] {strides = array<i32>} : memref<512x32xf32, #tpu.memory_space<vmem>>, vector<1x16xf32>,
      %get3A_711 = vector.shape_cast %get3A_710 : vector<1x16xf32> to vector<16xf32>
      %get3A_712 = arith.index_cast %add3A_707 : i32 to index
      %get3A_713 = arith.constant 16 : index
      %get3A_714 = tpu.vector_load %arg9[%get3A_712, %get3A_713] {strides = array<i32>} : memref<512x32xf32, #tpu.memory_space<vmem>>, vector<1x16xf32>,
      %get3A_715 = vector.shape_cast %get3A_714 : vector<1x16xf32> to vector<16xf32>
      %get3A_716 = arith.index_cast %add3A_707 : i32 to index
      %get3A_717 = arith.constant 0 : index
      %get3A_718 = tpu.vector_load %arg10[%get3A_716, %get3A_717] {strides = array<i32>} : memref<512x32xf32, #tpu.memory_space<vmem>>, vector<1x16xf32>,
      %get3A_719 = vector.shape_cast %get3A_718 : vector<1x16xf32> to vector<16xf32>
      %get3A_720 = arith.index_cast %add3A_707 : i32 to index
      %get3A_721 = arith.constant 16 : index
      %get3A_722 = tpu.vector_load %arg10[%get3A_720, %get3A_721] {strides = array<i32>} : memref<512x32xf32, #tpu.memory_space<vmem>>, vector<1x16xf32>,
      %get3A_723 = vector.shape_cast %get3A_722 : vector<1x16xf32> to vector<16xf32>
      %mul3A_724 = arith.mulf %get3A_711, %get3A_719 : vector<16xf32>
      %mul3A_725 = arith.mulf %get3A_715, %get3A_723 : vector<16xf32>
      %add3A_726 = arith.addf %mul3A_724, %mul3A_725 : vector<16xf32>
      %broadcast_in_dim3A_727 = vector.shape_cast %xor3A_186 : vector<16xi32> to vector<16x1xi32>
      %gather3A_728 = vector.shape_cast %broadcast_in_dim3A_727 : vector<16x1xi32> to vector<16xi32>
      %gather3A_729 = tpu.dynamic_gather %add3A_726[%gather3A_728] in [0] : vector<16xf32>, vector<16xi32> -> vector<16xf32>
      %add3A_730 = arith.addf %add3A_726, %gather3A_729 : vector<16xf32>
      %broadcast_in_dim3A_731 = vector.shape_cast %xor3A_189 : vector<16xi32> to vector<16x1xi32>
      %gather3A_732 = vector.shape_cast %broadcast_in_dim3A_731 : vector<16x1xi32> to vector<16xi32>
      %gather3A_733 = tpu.dynamic_gather %add3A_730[%gather3A_732] in [0] : vector<16xf32>, vector<16xi32> -> vector<16xf32>
      %add3A_734 = arith.addf %add3A_730, %gather3A_733 : vector<16xf32>
      %broadcast_in_dim3A_735 = vector.shape_cast %xor3A_192 : vector<16xi32> to vector<16x1xi32>
      %gather3A_736 = vector.shape_cast %broadcast_in_dim3A_735 : vector<16x1xi32> to vector<16xi32>
      %gather3A_737 = tpu.dynamic_gather %add3A_734[%gather3A_736] in [0] : vector<16xf32>, vector<16xi32> -> vector<16xf32>
      %add3A_738 = arith.addf %add3A_734, %gather3A_737 : vector<16xf32>
      %broadcast_in_dim3A_739 = vector.shape_cast %xor3A_195 : vector<16xi32> to vector<16x1xi32>
      %gather3A_740 = vector.shape_cast %broadcast_in_dim3A_739 : vector<16x1xi32> to vector<16xi32>
      %gather3A_741 = tpu.dynamic_gather %add3A_738[%gather3A_740] in [0] : vector<16xf32>, vector<16xi32> -> vector<16xf32>
      %add3A_742 = arith.addf %add3A_738, %gather3A_741 : vector<16xf32>
      %sub3A_743 = arith.constant 11 : i32
      %sub3A_744 = vector.broadcast %sub3A_743 : i32 to vector<16xi32>
      %sub3A_745 = arith.subi %iota3A, %sub3A_744 : vector<16xi32>
      %abs3A_746 = math.absi %sub3A_745 : vector<16xi32>
      %min3A_747 = arith.minsi %abs3A_746, %broadcast_in_dim3A_184 : vector<16xi32>
      %convert_element_type3A_748 = arith.sitofp %min3A_747 : vector<16xi32> to vector<16xf32>
      %mul3A_749 = arith.mulf %convert_element_type3A_748, %add3A_742 : vector<16xf32>
      %sub3A_750 = arith.subf %add3A_742, %mul3A_749 : vector<16xf32>
      %add3A_751 = arith.addf %add3A_705, %sub3A_750 : vector<16xf32>
      %add3A_752 = arith.constant 12 : i32
      %add3A_753 = arith.addi %mul3A_203, %add3A_752 : i32
      %get3A_754 = arith.index_cast %add3A_753 : i32 to index
      %get3A_755 = arith.constant 0 : index
      %get3A_756 = tpu.vector_load %arg9[%get3A_754, %get3A_755] {strides = array<i32>} : memref<512x32xf32, #tpu.memory_space<vmem>>, vector<1x16xf32>,
      %get3A_757 = vector.shape_cast %get3A_756 : vector<1x16xf32> to vector<16xf32>
      %get3A_758 = arith.index_cast %add3A_753 : i32 to index
      %get3A_759 = arith.constant 16 : index
      %get3A_760 = tpu.vector_load %arg9[%get3A_758, %get3A_759] {strides = array<i32>} : memref<512x32xf32, #tpu.memory_space<vmem>>, vector<1x16xf32>,
      %get3A_761 = vector.shape_cast %get3A_760 : vector<1x16xf32> to vector<16xf32>
      %get3A_762 = arith.index_cast %add3A_753 : i32 to index
      %get3A_763 = arith.constant 0 : index
      %get3A_764 = tpu.vector_load %arg10[%get3A_762, %get3A_763] {strides = array<i32>} : memref<512x32xf32, #tpu.memory_space<vmem>>, vector<1x16xf32>,
      %get3A_765 = vector.shape_cast %get3A_764 : vector<1x16xf32> to vector<16xf32>
      %get3A_766 = arith.index_cast %add3A_753 : i32 to index
      %get3A_767 = arith.constant 16 : index
      %get3A_768 = tpu.vector_load %arg10[%get3A_766, %get3A_767] {strides = array<i32>} : memref<512x32xf32, #tpu.memory_space<vmem>>, vector<1x16xf32>,
      %get3A_769 = vector.shape_cast %get3A_768 : vector<1x16xf32> to vector<16xf32>
      %mul3A_770 = arith.mulf %get3A_757, %get3A_765 : vector<16xf32>
      %mul3A_771 = arith.mulf %get3A_761, %get3A_769 : vector<16xf32>
      %add3A_772 = arith.addf %mul3A_770, %mul3A_771 : vector<16xf32>
      %broadcast_in_dim3A_773 = vector.shape_cast %xor3A_186 : vector<16xi32> to vector<16x1xi32>
      %gather3A_774 = vector.shape_cast %broadcast_in_dim3A_773 : vector<16x1xi32> to vector<16xi32>
      %gather3A_775 = tpu.dynamic_gather %add3A_772[%gather3A_774] in [0] : vector<16xf32>, vector<16xi32> -> vector<16xf32>
      %add3A_776 = arith.addf %add3A_772, %gather3A_775 : vector<16xf32>
      %broadcast_in_dim3A_777 = vector.shape_cast %xor3A_189 : vector<16xi32> to vector<16x1xi32>
      %gather3A_778 = vector.shape_cast %broadcast_in_dim3A_777 : vector<16x1xi32> to vector<16xi32>
      %gather3A_779 = tpu.dynamic_gather %add3A_776[%gather3A_778] in [0] : vector<16xf32>, vector<16xi32> -> vector<16xf32>
      %add3A_780 = arith.addf %add3A_776, %gather3A_779 : vector<16xf32>
      %broadcast_in_dim3A_781 = vector.shape_cast %xor3A_192 : vector<16xi32> to vector<16x1xi32>
      %gather3A_782 = vector.shape_cast %broadcast_in_dim3A_781 : vector<16x1xi32> to vector<16xi32>
      %gather3A_783 = tpu.dynamic_gather %add3A_780[%gather3A_782] in [0] : vector<16xf32>, vector<16xi32> -> vector<16xf32>
      %add3A_784 = arith.addf %add3A_780, %gather3A_783 : vector<16xf32>
      %broadcast_in_dim3A_785 = vector.shape_cast %xor3A_195 : vector<16xi32> to vector<16x1xi32>
      %gather3A_786 = vector.shape_cast %broadcast_in_dim3A_785 : vector<16x1xi32> to vector<16xi32>
      %gather3A_787 = tpu.dynamic_gather %add3A_784[%gather3A_786] in [0] : vector<16xf32>, vector<16xi32> -> vector<16xf32>
      %add3A_788 = arith.addf %add3A_784, %gather3A_787 : vector<16xf32>
      %sub3A_789 = arith.constant 12 : i32
      %sub3A_790 = vector.broadcast %sub3A_789 : i32 to vector<16xi32>
      %sub3A_791 = arith.subi %iota3A, %sub3A_790 : vector<16xi32>
      %abs3A_792 = math.absi %sub3A_791 : vector<16xi32>
      %min3A_793 = arith.minsi %abs3A_792, %broadcast_in_dim3A_184 : vector<16xi32>
      %convert_element_type3A_794 = arith.sitofp %min3A_793 : vector<16xi32> to vector<16xf32>
      %mul3A_795 = arith.mulf %convert_element_type3A_794, %add3A_788 : vector<16xf32>
      %sub3A_796 = arith.subf %add3A_788, %mul3A_795 : vector<16xf32>
      %add3A_797 = arith.addf %add3A_751, %sub3A_796 : vector<16xf32>
      %add3A_798 = arith.constant 13 : i32
      %add3A_799 = arith.addi %mul3A_203, %add3A_798 : i32
      %get3A_800 = arith.index_cast %add3A_799 : i32 to index
      %get3A_801 = arith.constant 0 : index
      %get3A_802 = tpu.vector_load %arg9[%get3A_800, %get3A_801] {strides = array<i32>} : memref<512x32xf32, #tpu.memory_space<vmem>>, vector<1x16xf32>,
      %get3A_803 = vector.shape_cast %get3A_802 : vector<1x16xf32> to vector<16xf32>
      %get3A_804 = arith.index_cast %add3A_799 : i32 to index
      %get3A_805 = arith.constant 16 : index
      %get3A_806 = tpu.vector_load %arg9[%get3A_804, %get3A_805] {strides = array<i32>} : memref<512x32xf32, #tpu.memory_space<vmem>>, vector<1x16xf32>,
      %get3A_807 = vector.shape_cast %get3A_806 : vector<1x16xf32> to vector<16xf32>
      %get3A_808 = arith.index_cast %add3A_799 : i32 to index
      %get3A_809 = arith.constant 0 : index
      %get3A_810 = tpu.vector_load %arg10[%get3A_808, %get3A_809] {strides = array<i32>} : memref<512x32xf32, #tpu.memory_space<vmem>>, vector<1x16xf32>,
      %get3A_811 = vector.shape_cast %get3A_810 : vector<1x16xf32> to vector<16xf32>
      %get3A_812 = arith.index_cast %add3A_799 : i32 to index
      %get3A_813 = arith.constant 16 : index
      %get3A_814 = tpu.vector_load %arg10[%get3A_812, %get3A_813] {strides = array<i32>} : memref<512x32xf32, #tpu.memory_space<vmem>>, vector<1x16xf32>,
      %get3A_815 = vector.shape_cast %get3A_814 : vector<1x16xf32> to vector<16xf32>
      %mul3A_816 = arith.mulf %get3A_803, %get3A_811 : vector<16xf32>
      %mul3A_817 = arith.mulf %get3A_807, %get3A_815 : vector<16xf32>
      %add3A_818 = arith.addf %mul3A_816, %mul3A_817 : vector<16xf32>
      %broadcast_in_dim3A_819 = vector.shape_cast %xor3A_186 : vector<16xi32> to vector<16x1xi32>
      %gather3A_820 = vector.shape_cast %broadcast_in_dim3A_819 : vector<16x1xi32> to vector<16xi32>
      %gather3A_821 = tpu.dynamic_gather %add3A_818[%gather3A_820] in [0] : vector<16xf32>, vector<16xi32> -> vector<16xf32>
      %add3A_822 = arith.addf %add3A_818, %gather3A_821 : vector<16xf32>
      %broadcast_in_dim3A_823 = vector.shape_cast %xor3A_189 : vector<16xi32> to vector<16x1xi32>
      %gather3A_824 = vector.shape_cast %broadcast_in_dim3A_823 : vector<16x1xi32> to vector<16xi32>
      %gather3A_825 = tpu.dynamic_gather %add3A_822[%gather3A_824] in [0] : vector<16xf32>, vector<16xi32> -> vector<16xf32>
      %add3A_826 = arith.addf %add3A_822, %gather3A_825 : vector<16xf32>
      %broadcast_in_dim3A_827 = vector.shape_cast %xor3A_192 : vector<16xi32> to vector<16x1xi32>
      %gather3A_828 = vector.shape_cast %broadcast_in_dim3A_827 : vector<16x1xi32> to vector<16xi32>
      %gather3A_829 = tpu.dynamic_gather %add3A_826[%gather3A_828] in [0] : vector<16xf32>, vector<16xi32> -> vector<16xf32>
      %add3A_830 = arith.addf %add3A_826, %gather3A_829 : vector<16xf32>
      %broadcast_in_dim3A_831 = vector.shape_cast %xor3A_195 : vector<16xi32> to vector<16x1xi32>
      %gather3A_832 = vector.shape_cast %broadcast_in_dim3A_831 : vector<16x1xi32> to vector<16xi32>
      %gather3A_833 = tpu.dynamic_gather %add3A_830[%gather3A_832] in [0] : vector<16xf32>, vector<16xi32> -> vector<16xf32>
      %add3A_834 = arith.addf %add3A_830, %gather3A_833 : vector<16xf32>
      %sub3A_835 = arith.constant 13 : i32
      %sub3A_836 = vector.broadcast %sub3A_835 : i32 to vector<16xi32>
      %sub3A_837 = arith.subi %iota3A, %sub3A_836 : vector<16xi32>
      %abs3A_838 = math.absi %sub3A_837 : vector<16xi32>
      %min3A_839 = arith.minsi %abs3A_838, %broadcast_in_dim3A_184 : vector<16xi32>
      %convert_element_type3A_840 = arith.sitofp %min3A_839 : vector<16xi32> to vector<16xf32>
      %mul3A_841 = arith.mulf %convert_element_type3A_840, %add3A_834 : vector<16xf32>
      %sub3A_842 = arith.subf %add3A_834, %mul3A_841 : vector<16xf32>
      %add3A_843 = arith.addf %add3A_797, %sub3A_842 : vector<16xf32>
      %add3A_844 = arith.constant 14 : i32
      %add3A_845 = arith.addi %mul3A_203, %add3A_844 : i32
      %get3A_846 = arith.index_cast %add3A_845 : i32 to index
      %get3A_847 = arith.constant 0 : index
      %get3A_848 = tpu.vector_load %arg9[%get3A_846, %get3A_847] {strides = array<i32>} : memref<512x32xf32, #tpu.memory_space<vmem>>, vector<1x16xf32>,
      %get3A_849 = vector.shape_cast %get3A_848 : vector<1x16xf32> to vector<16xf32>
      %get3A_850 = arith.index_cast %add3A_845 : i32 to index
      %get3A_851 = arith.constant 16 : index
      %get3A_852 = tpu.vector_load %arg9[%get3A_850, %get3A_851] {strides = array<i32>} : memref<512x32xf32, #tpu.memory_space<vmem>>, vector<1x16xf32>,
      %get3A_853 = vector.shape_cast %get3A_852 : vector<1x16xf32> to vector<16xf32>
      %get3A_854 = arith.index_cast %add3A_845 : i32 to index
      %get3A_855 = arith.constant 0 : index
      %get3A_856 = tpu.vector_load %arg10[%get3A_854, %get3A_855] {strides = array<i32>} : memref<512x32xf32, #tpu.memory_space<vmem>>, vector<1x16xf32>,
      %get3A_857 = vector.shape_cast %get3A_856 : vector<1x16xf32> to vector<16xf32>
      %get3A_858 = arith.index_cast %add3A_845 : i32 to index
      %get3A_859 = arith.constant 16 : index
      %get3A_860 = tpu.vector_load %arg10[%get3A_858, %get3A_859] {strides = array<i32>} : memref<512x32xf32, #tpu.memory_space<vmem>>, vector<1x16xf32>,
      %get3A_861 = vector.shape_cast %get3A_860 : vector<1x16xf32> to vector<16xf32>
      %mul3A_862 = arith.mulf %get3A_849, %get3A_857 : vector<16xf32>
      %mul3A_863 = arith.mulf %get3A_853, %get3A_861 : vector<16xf32>
      %add3A_864 = arith.addf %mul3A_862, %mul3A_863 : vector<16xf32>
      %broadcast_in_dim3A_865 = vector.shape_cast %xor3A_186 : vector<16xi32> to vector<16x1xi32>
      %gather3A_866 = vector.shape_cast %broadcast_in_dim3A_865 : vector<16x1xi32> to vector<16xi32>
      %gather3A_867 = tpu.dynamic_gather %add3A_864[%gather3A_866] in [0] : vector<16xf32>, vector<16xi32> -> vector<16xf32>
      %add3A_868 = arith.addf %add3A_864, %gather3A_867 : vector<16xf32>
      %broadcast_in_dim3A_869 = vector.shape_cast %xor3A_189 : vector<16xi32> to vector<16x1xi32>
      %gather3A_870 = vector.shape_cast %broadcast_in_dim3A_869 : vector<16x1xi32> to vector<16xi32>
      %gather3A_871 = tpu.dynamic_gather %add3A_868[%gather3A_870] in [0] : vector<16xf32>, vector<16xi32> -> vector<16xf32>
      %add3A_872 = arith.addf %add3A_868, %gather3A_871 : vector<16xf32>
      %broadcast_in_dim3A_873 = vector.shape_cast %xor3A_192 : vector<16xi32> to vector<16x1xi32>
      %gather3A_874 = vector.shape_cast %broadcast_in_dim3A_873 : vector<16x1xi32> to vector<16xi32>
      %gather3A_875 = tpu.dynamic_gather %add3A_872[%gather3A_874] in [0] : vector<16xf32>, vector<16xi32> -> vector<16xf32>
      %add3A_876 = arith.addf %add3A_872, %gather3A_875 : vector<16xf32>
      %broadcast_in_dim3A_877 = vector.shape_cast %xor3A_195 : vector<16xi32> to vector<16x1xi32>
      %gather3A_878 = vector.shape_cast %broadcast_in_dim3A_877 : vector<16x1xi32> to vector<16xi32>
      %gather3A_879 = tpu.dynamic_gather %add3A_876[%gather3A_878] in [0] : vector<16xf32>, vector<16xi32> -> vector<16xf32>
      %add3A_880 = arith.addf %add3A_876, %gather3A_879 : vector<16xf32>
      %sub3A_881 = arith.constant 14 : i32
      %sub3A_882 = vector.broadcast %sub3A_881 : i32 to vector<16xi32>
      %sub3A_883 = arith.subi %iota3A, %sub3A_882 : vector<16xi32>
      %abs3A_884 = math.absi %sub3A_883 : vector<16xi32>
      %min3A_885 = arith.minsi %abs3A_884, %broadcast_in_dim3A_184 : vector<16xi32>
      %convert_element_type3A_886 = arith.sitofp %min3A_885 : vector<16xi32> to vector<16xf32>
      %mul3A_887 = arith.mulf %convert_element_type3A_886, %add3A_880 : vector<16xf32>
      %sub3A_888 = arith.subf %add3A_880, %mul3A_887 : vector<16xf32>
      %add3A_889 = arith.addf %add3A_843, %sub3A_888 : vector<16xf32>
      %add3A_890 = arith.constant 15 : i32
      %add3A_891 = arith.addi %mul3A_203, %add3A_890 : i32
      %get3A_892 = arith.index_cast %add3A_891 : i32 to index
      %get3A_893 = arith.constant 0 : index
      %get3A_894 = tpu.vector_load %arg9[%get3A_892, %get3A_893] {strides = array<i32>} : memref<512x32xf32, #tpu.memory_space<vmem>>, vector<1x16xf32>,
      %get3A_895 = vector.shape_cast %get3A_894 : vector<1x16xf32> to vector<16xf32>
      %get3A_896 = arith.index_cast %add3A_891 : i32 to index
      %get3A_897 = arith.constant 16 : index
      %get3A_898 = tpu.vector_load %arg9[%get3A_896, %get3A_897] {strides = array<i32>} : memref<512x32xf32, #tpu.memory_space<vmem>>, vector<1x16xf32>,
      %get3A_899 = vector.shape_cast %get3A_898 : vector<1x16xf32> to vector<16xf32>
      %get3A_900 = arith.index_cast %add3A_891 : i32 to index
      %get3A_901 = arith.constant 0 : index
      %get3A_902 = tpu.vector_load %arg10[%get3A_900, %get3A_901] {strides = array<i32>} : memref<512x32xf32, #tpu.memory_space<vmem>>, vector<1x16xf32>,
      %get3A_903 = vector.shape_cast %get3A_902 : vector<1x16xf32> to vector<16xf32>
      %get3A_904 = arith.index_cast %add3A_891 : i32 to index
      %get3A_905 = arith.constant 16 : index
      %get3A_906 = tpu.vector_load %arg10[%get3A_904, %get3A_905] {strides = array<i32>} : memref<512x32xf32, #tpu.memory_space<vmem>>, vector<1x16xf32>,
      %get3A_907 = vector.shape_cast %get3A_906 : vector<1x16xf32> to vector<16xf32>
      %mul3A_908 = arith.mulf %get3A_895, %get3A_903 : vector<16xf32>
      %mul3A_909 = arith.mulf %get3A_899, %get3A_907 : vector<16xf32>
      %add3A_910 = arith.addf %mul3A_908, %mul3A_909 : vector<16xf32>
      %broadcast_in_dim3A_911 = vector.shape_cast %xor3A_186 : vector<16xi32> to vector<16x1xi32>
      %gather3A_912 = vector.shape_cast %broadcast_in_dim3A_911 : vector<16x1xi32> to vector<16xi32>
      %gather3A_913 = tpu.dynamic_gather %add3A_910[%gather3A_912] in [0] : vector<16xf32>, vector<16xi32> -> vector<16xf32>
      %add3A_914 = arith.addf %add3A_910, %gather3A_913 : vector<16xf32>
      %broadcast_in_dim3A_915 = vector.shape_cast %xor3A_189 : vector<16xi32> to vector<16x1xi32>
      %gather3A_916 = vector.shape_cast %broadcast_in_dim3A_915 : vector<16x1xi32> to vector<16xi32>
      %gather3A_917 = tpu.dynamic_gather %add3A_914[%gather3A_916] in [0] : vector<16xf32>, vector<16xi32> -> vector<16xf32>
      %add3A_918 = arith.addf %add3A_914, %gather3A_917 : vector<16xf32>
      %broadcast_in_dim3A_919 = vector.shape_cast %xor3A_192 : vector<16xi32> to vector<16x1xi32>
      %gather3A_920 = vector.shape_cast %broadcast_in_dim3A_919 : vector<16x1xi32> to vector<16xi32>
      %gather3A_921 = tpu.dynamic_gather %add3A_918[%gather3A_920] in [0] : vector<16xf32>, vector<16xi32> -> vector<16xf32>
      %add3A_922 = arith.addf %add3A_918, %gather3A_921 : vector<16xf32>
      %broadcast_in_dim3A_923 = vector.shape_cast %xor3A_195 : vector<16xi32> to vector<16x1xi32>
      %gather3A_924 = vector.shape_cast %broadcast_in_dim3A_923 : vector<16x1xi32> to vector<16xi32>
      %gather3A_925 = tpu.dynamic_gather %add3A_922[%gather3A_924] in [0] : vector<16xf32>, vector<16xi32> -> vector<16xf32>
      %add3A_926 = arith.addf %add3A_922, %gather3A_925 : vector<16xf32>
      %sub3A_927 = arith.constant 15 : i32
      %sub3A_928 = vector.broadcast %sub3A_927 : i32 to vector<16xi32>
      %sub3A_929 = arith.subi %iota3A, %sub3A_928 : vector<16xi32>
      %abs3A_930 = math.absi %sub3A_929 : vector<16xi32>
      %min3A_931 = arith.minsi %abs3A_930, %broadcast_in_dim3A_184 : vector<16xi32>
      %convert_element_type3A_932 = arith.sitofp %min3A_931 : vector<16xi32> to vector<16xf32>
      %mul3A_933 = arith.mulf %convert_element_type3A_932, %add3A_926 : vector<16xf32>
      %sub3A_934 = arith.subf %add3A_926, %mul3A_933 : vector<16xf32>
      %add3A_935 = arith.addf %add3A_889, %sub3A_934 : vector<16xf32>
      %swap3A = arith.index_cast %mul3A_203 : i32 to index
      %swap3A_936 = tpu.vector_load %arg11[%swap3A] {strides = array<i32>} : memref<512xf32, #tpu.memory_space<vmem>>, vector<16xf32>,
      %swap3A_937 = vector.shape_cast %swap3A_936 : vector<16xf32> to vector<16xf32>
      %swap3A_938 = vector.shape_cast %add3A_935 : vector<16xf32> to vector<16xf32>
      tpu.vector_store %arg11[%swap3A], %swap3A_938 {strides = array<i32>} : memref<512xf32, #tpu.memory_space<vmem>>, vector<16xf32>,
    }
    %scan3A_200 = arith.constant 32 : i32
    "tpu.region"() ({
      %run_scoped3A_201 = tpu.sem_alloc : memref<!tpu.dma_semaphore, #tpu.memory_space<semaphore_mem>>
      %dma_start3A_202 = tpu.memref_slice %arg6[%mul3A_2] : memref<16384xf32, #tpu.memory_space<hbm>> -> memref<512xf32, #tpu.memory_space<hbm>>
      %dma_start3A_203 = tpu.memref_slice %arg6[%mul3A_2] : memref<16384xf32, #tpu.memory_space<hbm>> -> memref<512xf32, #tpu.memory_space<hbm>>
      tpu.enqueue_dma source(%arg11 : memref<512xf32, #tpu.memory_space<vmem>>) target(%dma_start3A_203 : memref<512xf32, #tpu.memory_space<hbm>>) target_semaphore(%run_scoped3A_201 : memref<!tpu.dma_semaphore, #tpu.memory_space<semaphore_mem>>)
      %dma_wait3A_204 = tpu.memref_slice %arg6[%mul3A_2] : memref<16384xf32, #tpu.memory_space<hbm>> -> memref<512xf32, #tpu.memory_space<hbm>>
      %dma_wait3A_205 = tpu.memref_slice %arg6[%mul3A_2] : memref<16384xf32, #tpu.memory_space<hbm>> -> memref<512xf32, #tpu.memory_space<hbm>>
      tpu.wait_dma2 semaphore(%run_scoped3A_201 : memref<!tpu.dma_semaphore, #tpu.memory_space<semaphore_mem>>) src(%arg11 : memref<512xf32, #tpu.memory_space<vmem>>) dst(%dma_wait3A_205 : memref<512xf32, #tpu.memory_space<hbm>>)
      tpu.yield
    }) : () -> ()
    return
  }
}

</mosaic_0001>

<sc_bundles>
// kernel: kernel.3.cloned.1.call-start
scs
__scs_entry_jumppad:
0x0: {  	(pc) =	sbr.rel $0x88, $3  }
0x1: {  	(tag) =	ssettag $0x0;
	lr =	simm.s32 $0x1  }
0x2: {  	[smem:$0x3F9D] =	sst lr;
	_ =	strace $0xD0000000  }
0x3: {  	_ = 	snop  }
0x4: {  	_ = 	snop  }
0x5: {  	_ = 	snop  }
0x6: {  	_ = 	snop  }
0x7: {  	_ = 	snop  }
__scs_overlays_trampoline_lowered:
0x8: {  	[smem:$0x3FAC] =	sst s0  }
0x9: {  	[smem:$0x3FAD] =	sst s1  }
0xa: {  	[smem:$0x3FAE] =	sst s2  }
0xb: {  	[smem:$0x3FAF] =	sst s3  }
0xc: {  	[smem:$0x3FB0] =	sst s4  }
0xd: {  	[smem:$0x3FB1] =	sst s5  }
0xe: {  	[smem:$0x3FB2] =	sst s6  }
0xf: {  	[smem:$0x3FB3] =	sst s7  }
0x10: {  	[smem:$0x3FB4] =	sst s8  }
0x11: {  	[smem:$0x3FB5] =	sst s9;
	s0 =	simm.s32 @!p0 $0x0  }
0x12: {  	s1 =	sld [smem:$0x3F9B];
	s0 =	simm.s32 @p0 $0x1  }
0x13: {  	[smem:$0x3FB6] =	sst s0;
	s0 =	simm.s32 @!p1 $0x0  }
0x14: {  	s2 =	sld [smem:$0x3F9A];
	s0 =	simm.s32 @p1 $0x1  }
0x15: {  	[smem:$0x3FB7] =	sst s0;
	s0 =	simm.s32 @!p2 $0x0  }
0x16: {  	s3 =	sld [smem:$0x3FDB];
	s0 =	simm.s32 @p2 $0x1  }
0x17: {  	s4 =	simm.s32 $0x1BF5;
	[smem:$0x3FB9] =	sst s0  }
0x18: {  	s0 =	sld [smem:$0x3F9C];
	_ =	swait.ge [sflag:s4], $0x0  }
0x19: {  	s7 =	sld [smem:$0x3F9D]  }
0x1a: {  	s8 =	sadd.s32 $0xFFFFE003, lr  }
0x1b: {  	s9 =	sadd.s32 $0xFFFFFEF7, lr;
	s5 =	simm.s32 $0xFFFFFFFF;
	p2 =	slt.u32 s8, $0xFFFFF086  }
0x1c: {  	p1 =	slt.u32 s9, $0xF7A;
	s5 =	simm.s32 @!p2 $0x0  }
0x1d: {  	s5 =	simm.s32 @p1 $0x1;
	p0 =	seq.s32 s7, s2  }
0x1e: {  	s7 =	smul.u32 @!p0 $0xF7A, s2;
	p2 =	seq.s32 @!p0 s5, $0x0  }
0x1f: {  	s9 =	smul.u32 $0xF7A, s1;
	s8 =	simm.s32 @!p0 $0x1BF5;
	p2 =	por !p2, p0  }
0x20: {  	[sflag:s8] =	ssyncset.s32 @!p0 $0xFFFFF086;
	s6 =	sadd.s32 @!p0 s3, s7;
	s7 =	simm.s32 @!p0 $0x108  }
0x21: {  	s3 =	sadd.s32 s3, s9;
	s6 =	sadd.s32 @!p0 $0x88, s6;
	s7 =	simm.s32 @p2 $0x1082  }
0x22: {  	[simem:s7], [sflag:s8] =	dma.local @!p0 [hbm:s6], $0xF7A  }
0x23: {  	s9 =	sor.u32 $0xD0000000, s2;
	s6 =	simm.s32 $0x108;
	_ =	swait.ge @!p0 [sflag:s8], $0x0  }
0x24: {  	s3 =	sadd.s32 $0x88, s3;
	s6 =	simm.s32 @!p1 $0x1082;
	[sflag:s4] =	ssyncset.s32 $0xFFFFF086  }
0x25: {  	[simem:s6], [sflag:s4] =	dma.local [hbm:s3], $0xF7A  }
0x26: {  	[smem:$0x3F9D] =	sst s1;
	(tag) =	ssettag s2;
	_ =	strace s9  }
0x27: {  	s1 =	sld [smem:$0x3FAD]  }
0x28: {  	s2 =	sld [smem:$0x3FAE]  }
0x29: {  	s4 =	sld [smem:$0x3FB0]  }
0x2a: {  	p0 =	seq.s32 s5, $0x0;
	s5 =	sld [smem:$0x3FB1]  }
0x2b: {  	s6 =	sld [smem:$0x3FB2]  }
0x2c: {  	s7 =	sld [smem:$0x3FB3]  }
0x2d: {  	s3 =	simm.s32 $0x108;
	s8 =	sld [smem:$0x3FB4]  }
0x2e: {  	s3 =	simm.s32 @!p0 $0x1082;
	s9 =	sld [smem:$0x3FB5]  }
0x2f: {  	lr =	sadd.s32 s0, s3;
	s0 =	sld [smem:$0x3FAC]  }
0x30: {  	s3 =	sld [smem:$0x3FAF]  }
0x31: {  	[smem:$0x3FB8] =	sst s10  }
0x32: {  	s10 =	sld [smem:$0x3FB6];
	_ =	sdelay $0x3  }
0x33: {  	p0 =	seq.s32 s10, $0x1;
	s10 =	sld [smem:$0x3FB8];
	_ =	sdelay $0x3  }
0x34: {  	[smem:$0x3FB8] =	sst s10  }
0x35: {  	s10 =	sld [smem:$0x3FB7];
	_ =	sdelay $0x3  }
0x36: {  	p1 =	seq.s32 s10, $0x1;
	s10 =	sld [smem:$0x3FB8];
	_ =	sdelay $0x3  }
0x37: {  	[smem:$0x3FB8] =	sst s10  }
0x38: {  	s10 =	sld [smem:$0x3FB9]  }
0x39: {  	_ = 	snop;
	(pc) =	sbr.ind lr, $3  }
0x3a: {  	_ = 	snop  }
0x3b: {  	_ = 	snop  }
0x3c: {  	p2 =	seq.s32 s10, $0x1;
	s10 =	sld [smem:$0x3FB8]  }
0x3d: {  	_ =	shalt  }
0x3e: {  	_ =	shalt  }
0x3f: {  	_ =	shalt  }
0x40: {  	_ =	shalt  }
0x41: {  	_ =	shalt  }
0x42: {  	_ =	shalt  }
0x43: {  	_ =	shalt  }
0x44: {  	_ =	shalt  }
0x45: {  	_ =	shalt  }
0x46: {  	_ =	shalt  }
0x47: {  	_ =	shalt  }
0x48: {  	_ =	shalt  }
0x49: {  	_ =	shalt  }
0x4a: {  	_ =	shalt  }
0x4b: {  	_ =	shalt  }
0x4c: {  	_ =	shalt  }
0x4d: {  	_ =	shalt  }
0x4e: {  	_ =	shalt  }
0x4f: {  	_ =	shalt  }
0x50: {  	_ =	shalt  }
0x51: {  	_ =	shalt  }
0x52: {  	_ =	shalt  }
0x53: {  	_ =	shalt  }
0x54: {  	_ =	shalt  }
0x55: {  	_ =	shalt  }
0x56: {  	_ =	shalt  }
0x57: {  	_ =	shalt  }
0x58: {  	_ =	shalt  }
0x59: {  	_ =	shalt  }
0x5a: {  	_ =	shalt  }
0x5b: {  	_ =	shalt  }
0x5c: {  	_ =	shalt  }
0x5d: {  	_ =	shalt  }
0x5e: {  	_ =	shalt  }
0x5f: {  	_ =	shalt  }
0x60: {  	_ =	shalt  }
0x61: {  	_ =	shalt  }
0x62: {  	_ =	shalt  }
0x63: {  	_ =	shalt  }
0x64: {  	_ =	shalt  }
0x65: {  	_ =	shalt  }
0x66: {  	_ =	shalt  }
0x67: {  	_ =	shalt  }
0x68: {  	_ =	shalt  }
0x69: {  	_ =	shalt  }
0x6a: {  	_ =	shalt  }
0x6b: {  	_ =	shalt  }
0x6c: {  	_ =	shalt  }
0x6d: {  	_ =	shalt  }
0x6e: {  	_ =	shalt  }
0x6f: {  	_ =	shalt  }
0x70: {  	_ =	shalt  }
0x71: {  	_ =	shalt  }
0x72: {  	_ =	shalt  }
0x73: {  	_ =	shalt  }
0x74: {  	_ =	shalt  }
0x75: {  	_ =	shalt  }
0x76: {  	_ =	shalt  }
0x77: {  	_ =	shalt  }
0x78: {  	_ =	shalt  }
0x79: {  	_ =	shalt  }
0x7a: {  	_ =	shalt  }
0x7b: {  	_ =	shalt  }
0x7c: {  	_ =	shalt  }
0x7d: {  	_ =	shalt  }
0x7e: {  	_ =	shalt  }
0x7f: {  	_ =	shalt  }
0x80: {  	_ =	shalt  }
0x81: {  	_ =	shalt  }
0x82: {  	_ =	shalt  }
0x83: {  	_ =	shalt  }
0x84: {  	_ =	shalt  }
0x85: {  	_ =	shalt  }
0x86: {  	_ =	shalt  }
0x87: {  	_ =	shalt  }
.Lfunc_end0:
.L_simem_size_0:
called_computation_lowered:
.L_overlay_start_0:
0x88: {  	s2 =	sld [smem:$0x3FD9]  }
0x89: {  	s3 =	sld [smem:$0x3FFE];
	_ =	sdelay $0x1  }
0x8a: {  	s1 =	srdreg.scid  }
0x8b: {  	s0 =	sand.u32 $0x1, s1  }
0x8c: {  	s17 =	sshll.u32 s0, $0xA;
	s2 =	sadd.s32 s3, s2  }
0x8d: {  	s2 =	sadd.s32 s2, s17  }
0x8e: {  	[smem:$0x3FC4] =	sst s2  }
0x8f: {  	_ = 	snop  }
0x90: {  	s2 =	sld [smem:$0x3FC9]  }
0x91: {  	s18 =	sld [smem:$0x3FC8]  }
0x92: {  	s4 =	sld [smem:$0x3FD0];
	(tm) =	ssettm $0x1  }
0x93: {  	s5 =	sld [smem:$0x3FFB];
	_ =	sdelay $0x3  }
0x94: {  	_ =	strace s5  }
0x95: {  	s5 =	sld [smem:$0x3FFC];
	_ =	sdelay $0x3  }
0x96: {  	_ =	strace s5  }
0x97: {  	s5 =	sld [smem:$0x3FFD];
	_ =	sdelay $0x3  }
0x98: {  	_ =	strace s5  }
0x99: {  	_ =	strace $0x8FFFFFFF  }
0x9a: {  	s19 =	sld [smem:$0x3FDB];
	_ =	sdelay $0x1  }
0x9b: {  	s6 =	simm.s32 $_scs_section_size  }
0x9c: {  	s7 =	simm.s32 $_size__tile_overlayer_lowered;
	s8 =	simm.s32 $_tile_overlayer_lowered  }
0x9d: {  	s22 =	simm.s32 $0x1BFF;
	s21 =	sshll.u32 s8, $0x1;
	s5 =	sadd.s32 s6, s19  }
0x9e: {  	s9 =	simm.s32 $0x0;
	s20 =	sshll.u32 s7, $0x1;
	s7 =	sadd.s32 s21, s5  }
0x9f: {  	[timem:s9], [sflag:s22] =	dma.local [hbm:s7], s20  }
0xa0: {  	_ =	swait.ge [sflag:s22], s20  }
0xa1: {  	s6 =	ssub.s32 $0x0, s20;
	[sflag:s22] =	ssyncset.done $0x0  }
0xa2: {  	[sflag:s22] =	ssyncadd.s32 s6;
	_ =	sdelay $0x1  }
0xa3: {  	s23 =	simm.s32 $0x1B8B  }
0xa4: {  	_ =	swait.ge [sflag:s23], $0x1  }
0xa5: {  	[sflag:s23] =	ssyncset.done $0x0  }
0xa6: {  	s25 =	simm.s32 $0x1B8E;
	s24 =	sld [smem:$0x3FFE];
	[sflag:s23] =	ssyncadd.s32 $0xFFFFFFFF  }
0xa7: {  	s26 =	simm.s32 $execute0_lowered;
	[smem:$0x3FD2] =	sst s25  }
0xa8: {  	s7 =	sshll.u32 s26, $0x1;
	_ =	strace $0x80000046;
	[dreg:$0x1] =	wrdreg $0xFFFFFFFF  }
0xa9: {  	s28 =	simm.s32 $_size_execute0_lowered;
	s5 =	sadd.s32 s5, s7;
	[dreg:$0x0] =	wrdreg $0x0  }
0xaa: {  	s7 =	sshll.u32 s28, $0x1;
	[dreg:$0x2] =	wrdreg s5  }
0xab: {  	[dreg:$0x3] =	wrdreg s7  }
0xac: {  	[dreg:$0x4] =	wrdreg $0xC0  }
0xad: {  	_ =	task [dreg:s9], $0x5FFFF  }
0xae: {  	[dreg:$0x1] =	wrdreg $0xFFFFFFFF  }
0xaf: {  	[dreg:$0x0] =	wrdreg $0x60  }
0xb0: {  	[dreg:$0x2] =	wrdreg s2  }
0xb1: {  	[dreg:$0x3] =	wrdreg s18  }
0xb2: {  	[dreg:$0x4] =	wrdreg s24  }
0xb3: {  	[dreg:$0x5] =	wrdreg s4  }
0xb4: {  	[dreg:$0x6] =	wrdreg $0x9  }
0xb5: {  	_ =	task.clear_ibuf [dreg:s9], $0x7FFFF;
	_ =	strace $0x90000046  }
0xb6: {  	s29 =	simm.s32 $0x9;
	_ =	strace $0x80000048  }
0xb7: {  	_ =	swait.ge [sflag:s29], $0x1  }
0xb8: {  	[sflag:s29] =	ssyncadd.s32 $0xFFFFFFFF  }
0xb9: {  	_ =	strace $0x90000048  }
0xba: {  	_ =	sfence  }
0xbb: {  	s30 =	sld [smem:$0x0];
	_ =	sdelay $0x2  }
0xbc: {  	s31 =	sshll.u32 s1, $0xD;
	s1 =	sshrl.u32 s1, $0x2  }
0xbd: {  	s3 =	sand.u32 $0x4000, s31;
	s1 =	sadd.s32 s1, s30  }
0xbe: {  	s0 =	sor.u32 s3, s0;
	s1 =	sshll.u32 s1, $0x11  }
0xbf: {  	s0 =	sor.u32 s1, s0  }
0xc0: {  	s0 =	sadd.s32 $0x8F2B, s0  }
0xc1: {  	[sflag:s0] =	ssyncadd.remote.s32 $0x1  }
0xc2: {  	_ =	sfence.sel $0xFFFF  }
0xc3: {  	[dreg:$0x0] =	wrdreg $0xFFFFFFFF;
	(pc) =	sbr.abs _section_cstart, $3  }
0xc4: {  	[dreg:$0x1] =	wrdreg $0xFFFFFFFF  }
0xc5: {  	_ =	task.clear_ibuf [dreg:s9], $0x2FFFF;
	_ =	strace $0x9FFFFFFF  }
0xc6: {  	(tm) =	ssettm $0x7FFFFFFF  }
0xc7: {  	_ =	shalt  }
tec
execute0_lowered:
.L_overlay_start_1:
0x0: {  	(tag) =	ssettag $0x1  }
0x1: {  	v0 =	vimm.s32 $0x76543210;
	v1 =	vimm.s32 $0xFEDCBA98;
	v2 =	vimm.s32 $0xBA98FEDC  }
0x2: {  	v3 =	vimm.s32 $0x32107654;
	vm0 =	vcmask $0x300;
	v16 =	vimm.f32 $-1.000000000e+00  }
0x3: {  	vm13 =	vcmask $0x704;
	vm14 =	vcmask $0xB08;
	v5 =	vimm.s32 $0x54761032  }
0x4: {  	vm15 =	vcmask $0xF0C;
	vm4 =	vcmask $0x1310;
	vm5 =	vcmask $0x1714  }
0x5: {  	vm6 =	vcmask $0x1B18;
	v9 =	vimm.s32 $0xEFCDAB89;
	vm7 =	vcmask $0x1F1C  }
0x6: {  	s0 =	rddreg [dreg:$0x0];
	vm8 =	vcmask $0x2320;
	v11 =	vimm.s32 $0x67452301;
	vm9 =	vcmask $0x2724  }
0x7: {  	s3 =	rddreg [dreg:$0x1];
	vm10 =	vcmask $0x2B28;
	vm11 =	vcmask $0x2F2C;
	vm12 =	vcmask $0x3330  }
0x8: {  	s1 =	rddreg [dreg:$0x2];
	v20 =	vimm.f32 $-0.0e+00;
	v1 =	vunpack.c.l.s4.s8 v1;
	v2 =	vunpack.c.l.s4.s8 v2  }
0x9: {  	s13 =	rddreg [dreg:$0x3];
	v3 =	vunpack.c.l.s4.s8 v3;
	v0 =	vunpack.c.l.s4.s8 v0;
	v4 =	vsel vm14, $0x80000000, v16  }
0xa: {  	s2 =	simm.s32 $0x0;
	s4 =	srdreg.scid;
	s6 =	stileid.u32;
	v7 =	vunpack.c.l.s4.s8 v5;
	v5 =	vsel vm15, $0x80000000, v16;
	v8 =	vsel vm6, $0x80000000, v16  }
0xb: {  	s16 =	simm.s32 $0x200;
	s17 =	simm.s32 $0x80;
	s18 =	simm.s32 $0x280;
	v12 =	vunpack.c.l.s4.s8 v9;
	v9 =	vsel vm7, $0x80000000, v16;
	v10 =	vsel vm8, $0x80000000, v16  }
0xc: {  	s19 =	simm.s32 $0x100;
	s20 =	simm.s32 $0x300;
	s21 =	simm.s32 $0x180;
	v13 =	vunpack.c.l.s4.s8 v11;
	v11 =	vsel vm9, $0x80000000, v16;
	vm14 =	vcmask $0x3B38  }
0xd: {  	s22 =	simm.s32 $0x380;
	s30 =	simm.s32 $0x3400;
	s31 =	simm.s32 $0x7400;
	vm15 =	vcmask $0x3B00;
	v2 =	vunpack.c.0.s8.s32 v2;
	v3 =	vunpack.c.0.s8.s32 v3  }
0xe: {  	s23 =	simm.s32 $0x0;
	[smem:$0x7FF] =	sst s2;
	s4 =	sand.u32 $0x1, s4;
	v1 =	vunpack.c.0.s8.s32 v1;
	v0 =	vunpack.c.0.s8.s32 v0;
	v15 =	vunpack.c.0.s8.s32 v7  }
0xf: {  	s6 =	sshll.u32 s6, $0x7;
	s5 =	ssub.s32 $0x2, s4;
	s7 =	sshll.u32 s4, $0x6;
	v7 =	vsel vm5, $0x80000000, v16;
	v2 =	vcombine.low v3, v2;
	v3 =	vimm.s32 $0xDCFE98BA  }
0x10: {  	_ =	strace $0x80000047;
	s8 =	sshrl.u32 s5, $0x1;
	s14 =	sor.u32 s7, s6;
	v17 =	vunpack.c.0.s8.s32 v12;
	v18 =	vunpack.c.0.s8.s32 v13;
	v6 =	vunpack.c.l.s4.s8 v3  }
0x11: {  	s4 =	sadd.s32 $0x3D0A00, s1;
	v12 =	vsel vm10, $0x80000000, v16;
	v13 =	vsel vm11, $0x80000000, v16;
	s15 =	ssub.s32 s5, s8;
	s5 =	sadd.s32 s0, s14;
	v1 =	vand.u32 $0xF, v1  }
0x12: {  	s29 =	sor.u32 $0x10, s14;
	s6 =	sadd.s32 s3, s14;
	s10 =	sor.u32 $0x20, s14;
	v18 =	vcombine.low v18, v17;
	v0 =	vcombine.low v1, v0;
	v14 =	vunpack.c.0.s8.s32 v6  }
0x13: {  	s12 =	sor.u32 $0x30, s14;
	s13 =	sadd.s32 s13, s14;
	s7 =	sadd.s32 s0, s29;
	v3 =	vsel vm13, $0x80000000, v16;
	vm13 =	vcmask $0x3734;
	v1 =	vand.u32 $0xF, v2  }
0x14: {  	s8 =	sadd.s32 s3, s29;
	s9 =	sadd.s32 s0, s10;
	s10 =	sadd.s32 s3, s10;
	v2 =	vsel vm0, $0x80000000, v16;
	v18 =	vand.u32 $0xF, v18;
	v19 =	vcombine.low v15, v14  }
0x15: {  	s11 =	sadd.s32 s0, s12;
	s12 =	sadd.s32 s3, s12;
	s14 =	smax.u32 s15, $0x1;
	v6 =	vsel vm4, $0x80000000, v16;
	v14 =	vsel vm12, $0x80000000, v16;
	v15 =	vsel vm13, $0x80000000, v16  }
0x16: {  	s15 =	simm.s32 $0x2;
	s0 =	simm.s32 $0x1;
	s3 =	simm.s32 $0x8400;
	v16 =	vsel vm14, $0x80000000, v16;
	v17 =	vand.u32 $0xF, v19;
	v19 =	vsel vm15, $0xBF800000, v20  }
.LBB2_1:
0x17: {  	[tilespmem:s2], [sflag:$0x2] =	stream.linear.gather [hbm4b:s5+s2], $0x80, $0x38;
	[tilespmem:$0x8600] =	vst v63  }
0x18: {  	_ =	swait.ge [sflag:s15], $0x80  }
0x19: {  	[sflag:s15] =	ssyncset.done $0x0  }
0x1a: {  	[sflag:s15] =	ssyncadd.s32 $0xFFFFFF80  }
0x1b: {  	[tilespmem:s16], [sflag:$0x2] =	stream.linear.gather [hbm4b:s6+s2], $0x80, $0x38;
	[tilespmem:$0x8600] =	vst v63  }
0x1c: {  	_ =	swait.ge [sflag:s15], $0x80  }
0x1d: {  	[sflag:s15] =	ssyncset.done $0x0  }
0x1e: {  	[sflag:s15] =	ssyncadd.s32 $0xFFFFFF80  }
0x1f: {  	[tilespmem:s17], [sflag:$0x2] =	stream.linear.gather [hbm4b:s7+s2], $0x80, $0x38;
	[tilespmem:$0x8600] =	vst v63  }
0x20: {  	_ =	swait.ge [sflag:s15], $0x80  }
0x21: {  	[sflag:s15] =	ssyncset.done $0x0  }
0x22: {  	[sflag:s15] =	ssyncadd.s32 $0xFFFFFF80  }
0x23: {  	[tilespmem:s18], [sflag:$0x2] =	stream.linear.gather [hbm4b:s8+s2], $0x80, $0x38;
	[tilespmem:$0x8600] =	vst v63  }
0x24: {  	_ =	swait.ge [sflag:s15], $0x80  }
0x25: {  	[sflag:s15] =	ssyncset.done $0x0  }
0x26: {  	[sflag:s15] =	ssyncadd.s32 $0xFFFFFF80  }
0x27: {  	[tilespmem:s19], [sflag:$0x2] =	stream.linear.gather [hbm4b:s9+s2], $0x80, $0x38;
	[tilespmem:$0x8600] =	vst v63  }
0x28: {  	_ =	swait.ge [sflag:s15], $0x80  }
0x29: {  	[sflag:s15] =	ssyncset.done $0x0  }
0x2a: {  	[sflag:s15] =	ssyncadd.s32 $0xFFFFFF80  }
0x2b: {  	[tilespmem:s20], [sflag:$0x2] =	stream.linear.gather [hbm4b:s10+s2], $0x80, $0x38;
	[tilespmem:$0x8600] =	vst v63  }
0x2c: {  	_ =	swait.ge [sflag:s15], $0x80  }
0x2d: {  	[sflag:s15] =	ssyncset.done $0x0  }
0x2e: {  	[sflag:s15] =	ssyncadd.s32 $0xFFFFFF80  }
0x2f: {  	[tilespmem:s21], [sflag:$0x2] =	stream.linear.gather [hbm4b:s11+s2], $0x80, $0x38;
	[tilespmem:$0x8600] =	vst v63  }
0x30: {  	_ =	swait.ge [sflag:s15], $0x80  }
0x31: {  	[sflag:s15] =	ssyncset.done $0x0  }
0x32: {  	[sflag:s15] =	ssyncadd.s32 $0xFFFFFF80  }
0x33: {  	[tilespmem:s22], [sflag:$0x2] =	stream.linear.gather [hbm4b:s12+s2], $0x80, $0x38;
	[tilespmem:$0x8600] =	vst v63  }
0x34: {  	_ =	swait.ge [sflag:s15], $0x80  }
0x35: {  	[sflag:s15] =	ssyncset.done $0x0  }
0x36: {  	s24 =	simm.s32 $0x400;
	[sflag:s15] =	ssyncadd.s32 $0xFFFFFF80  }
0x37: {  	[tilespmem:s24], [sflag:$0x1] =	stream.indirect.gather [hbm4b:s4+s17], $0x20, s2, s17, $0xb8;
	[tilespmem:$0x8600] =	vst v63  }
0x38: {  	s26 =	simm.s32 $0x4400  }
0x39: {  	[tilespmem:s26], [sflag:$0x1] =	stream.indirect.gather [hbm4b:s1+s17], $0x20, s16, s17, $0xb8;
	[tilespmem:$0x8600] =	vst v63  }
0x3a: {  	s29 =	simm.s32 $0x1400  }
0x3b: {  	[tilespmem:s29], [sflag:$0x1] =	stream.indirect.gather [hbm4b:s4+s17], $0x20, s17, s17, $0xb8;
	[tilespmem:$0x8600] =	vst v63  }
0x3c: {  	s25 =	simm.s32 $0x5400  }
0x3d: {  	[tilespmem:s25], [sflag:$0x1] =	stream.indirect.gather [hbm4b:s1+s17], $0x20, s18, s17, $0xb8;
	[tilespmem:$0x8600] =	vst v63  }
0x3e: {  	s26 =	simm.s32 $0x2400  }
0x3f: {  	[tilespmem:s26], [sflag:$0x1] =	stream.indirect.gather [hbm4b:s4+s17], $0x20, s19, s17, $0xb8;
	[tilespmem:$0x8600] =	vst v63  }
0x40: {  	s29 =	simm.s32 $0x6400  }
0x41: {  	[tilespmem:s29], [sflag:$0x1] =	stream.indirect.gather [hbm4b:s1+s17], $0x20, s20, s17, $0xb8;
	[tilespmem:$0x8600] =	vst v63  }
0x42: {  	_ = 	snop  }
0x43: {  	[tilespmem:s30], [sflag:$0x1] =	stream.indirect.gather [hbm4b:s4+s17], $0x20, s21, s17, $0xb8;
	[tilespmem:$0x8600] =	vst v63  }
0x44: {  	_ = 	snop  }
0x45: {  	[tilespmem:s31], [sflag:$0x1] =	stream.indirect.gather [hbm4b:s1+s17], $0x20, s22, s17, $0xb8;
	[tilespmem:$0x8600] =	vst v63  }
0x46: {  	_ =	swait.ge [sflag:s0], $0x1000  }
0x47: {  	[sflag:s0] =	ssyncset.done $0x0  }
0x48: {  	[sflag:s0] =	ssyncadd.s32 $0xFFFFF000  }
0x49: {  	_ =	swait.ge [sflag:s0], $0x1000  }
0x4a: {  	[sflag:s0] =	ssyncset.done $0x0  }
0x4b: {  	[sflag:s0] =	ssyncadd.s32 $0xFFFFF000  }
0x4c: {  	_ =	swait.ge [sflag:s0], $0x1000  }
0x4d: {  	[sflag:s0] =	ssyncset.done $0x0  }
0x4e: {  	[sflag:s0] =	ssyncadd.s32 $0xFFFFF000  }
0x4f: {  	_ =	swait.ge [sflag:s0], $0x1000  }
0x50: {  	[sflag:s0] =	ssyncset.done $0x0  }
0x51: {  	[sflag:s0] =	ssyncadd.s32 $0xFFFFF000  }
0x52: {  	_ =	swait.ge [sflag:s0], $0x1000  }
0x53: {  	[sflag:s0] =	ssyncset.done $0x0  }
0x54: {  	[sflag:s0] =	ssyncadd.s32 $0xFFFFF000  }
0x55: {  	_ =	swait.ge [sflag:s0], $0x1000  }
0x56: {  	[sflag:s0] =	ssyncset.done $0x0  }
0x57: {  	[sflag:s0] =	ssyncadd.s32 $0xFFFFF000  }
0x58: {  	_ =	swait.ge [sflag:s0], $0x1000  }
0x59: {  	[sflag:s0] =	ssyncset.done $0x0  }
0x5a: {  	[sflag:s0] =	ssyncadd.s32 $0xFFFFF000  }
0x5b: {  	_ =	swait.ge [sflag:s0], $0x1000  }
0x5c: {  	[sflag:s0] =	ssyncset.done $0x0  }
0x5d: {  	s25 =	simm.s32 $0x0;
	[sflag:s0] =	ssyncadd.s32 $0xFFFFF000  }
0x5e: {  	v20 =	vld [tilespmem:s25+$0x4A0]  }
0x5f: {  	v21 =	vld [tilespmem:s25+$0x4480]  }
0x60: {  	v22 =	vld [tilespmem:s25+$0x480]  }
0x61: {  	v23 =	vld [tilespmem:s25+$0x490]  }
0x62: {  	v24 =	vld [tilespmem:s25+$0x460]  }
0x63: {  	v25 =	vld [tilespmem:s25+$0x470]  }
0x64: {  	v26 =	vld [tilespmem:s25+$0x4460]  }
0x65: {  	v27 =	vld [tilespmem:s25+$0x4470]  }
0x66: {  	v28 =	vld [tilespmem:s25+$0x4490]  }
0x67: {  	v29 =	vld [tilespmem:s25+$0x4420]  }
0x68: {  	v30 =	vld [tilespmem:s25+$0x4430]  }
0x69: {  	v31 =	vld [tilespmem:s25+$0x420]  }
0x6a: {  	v32 =	vld [tilespmem:s25+$0x4410]  }
0x6b: {  	v33 =	vld [tilespmem:s25+$0x430]  }
0x6c: {  	v34 =	vld [tilespmem:s25+$0x400]  }
0x6d: {  	v35 =	vld [tilespmem:s25+$0x44A0]  }
0x6e: {  	v52 =	vld [tilespmem:s25+$0x440]  }
0x6f: {  	v61 =	vld [tilespmem:s25+$0x4500]  }
0x70: {  	v25 =	vmul.f32 v27, v25;
	v27 =	vld [tilespmem:s25+$0x410]  }
0x71: {  	v24 =	vmul.f32 v26, v24;
	v26 =	vld [tilespmem:s25+$0x4400]  }
0x72: {  	v21 =	vmul.f32 v21, v22;
	v22 =	vld [tilespmem:s25+$0x44B0]  }
0x73: {  	v23 =	vmul.f32 v28, v23;
	v24 =	vadd.f32 v25, v24;
	v25 =	vmul.f32 v30, v33;
	v30 =	vld [tilespmem:s25+$0x4B0]  }
0x74: {  	v42 =	vld [tilespmem:s25+$0x500];
	v29 =	vmul.f32 v29, v31  }
0x75: {  	v31 =	vld [tilespmem:s25+$0x4450];
	v21 =	vadd.f32 v23, v21;
	v28 =	vperm.xlane v24, v0  }
0x76: {  	v25 =	vadd.f32 v25, v29;
	v27 =	vmul.f32 v32, v27;
	v23 =	vmul.f32 v26, v34;
	v26 =	vld [tilespmem:s25+$0x450]  }
0x77: {  	v20 =	vmul.f32 v35, v20;
	v29 =	vperm.xlane v21, v0;
	v24 =	vadd.f32 v24, v28;
	v28 =	vld [tilespmem:s25+$0x4440]  }
0x78: {  	v36 =	vld [tilespmem:s25+$0x4F0];
	v23 =	vadd.f32 v27, v23;
	v27 =	vperm.xlane v25, v0;
	v22 =	vmul.f32 v22, v30  }
0x79: {  	v59 =	vld [tilespmem:s25+$0x44F0];
	v51 =	vmul.f32 v61, v42;
	v21 =	vadd.f32 v21, v29;
	v53 =	vperm.xlane v24, v1  }
0x7a: {  	v30 =	vperm.xlane v23, v0;
	v25 =	vadd.f32 v25, v27;
	v27 =	vld [tilespmem:s25+$0x44D0];
	v20 =	vadd.f32 v22, v20  }
0x7b: {  	v22 =	vld [tilespmem:s25+$0x4D0];
	v24 =	vadd.f32 v24, v53;
	v26 =	vmul.f32 v31, v26;
	v31 =	vperm.xlane v21, v1  }
0x7c: {  	v23 =	vadd.f32 v23, v30;
	v30 =	vperm.xlane v25, v1;
	v28 =	vmul.f32 v28, v52  }
0x7d: {  	v33 =	vperm.xlane v24, v17;
	v21 =	vadd.f32 v21, v31;
	v31 =	vperm.xlane v20, v0  }
0x7e: {  	v38 =	vld [tilespmem:s25+$0x4E0];
	v56 =	vperm.xlane v23, v1;
	v25 =	vadd.f32 v25, v30;
	v26 =	vadd.f32 v26, v28  }
0x7f: {  	v30 =	vld [tilespmem:s25+$0x44E0];
	v24 =	vadd.f32 v24, v33;
	v28 =	vperm.xlane v21, v17;
	v20 =	vadd.f32 v20, v31  }
0x80: {  	v29 =	vld [tilespmem:s25+$0x4530];
	v22 =	vmul.f32 v27, v22;
	v33 =	vmul.f32 v59, v36;
	v23 =	vadd.f32 v23, v56  }
0x81: {  	v27 =	vld [tilespmem:s25+$0x530];
	v57 =	vperm.xlane v25, v17;
	v21 =	vadd.f32 v21, v28;
	v28 =	vperm.xlane v20, v1  }
0x82: {  	v54 =	vld [tilespmem:s25+$0x4C0];
	v37 =	vperm.xlane v26, v0;
	v58 =	vperm.xlane v24, v18  }
0x83: {  	v55 =	vld [tilespmem:s25+$0x4510];
	v39 =	vperm.xlane v23, v17;
	v25 =	vadd.f32 v25, v57;
	v28 =	vadd.f32 v20, v28  }
0x84: {  	v31 =	vld [tilespmem:s25+$0x44C0];
	v26 =	vadd.f32 v26, v37;
	v60 =	vperm.xlane v21, v18;
	v30 =	vmul.f32 v30, v38  }
0x85: {  	v40 =	vld [tilespmem:s25+$0x510];
	v24 =	vadd.f32 v24, v58;
	v20 =	vperm.xlane v25, v18;
	v63 =	vperm.xlane v28, v17  }
0x86: {  	v46 =	vld [tilespmem:s25+$0x520];
	v23 =	vadd.f32 v23, v39;
	v41 =	vperm.xlane v26, v1;
	v27 =	vmul.f32 v29, v27  }
0x87: {  	v43 =	vld [tilespmem:s25+$0x540];
	v62 =	vmul.f32 v5, v24;
	v21 =	vadd.f32 v21, v60;
	v28 =	vadd.f32 v28, v63  }
0x88: {  	v57 =	vld [tilespmem:s25+$0x4540];
	v30 =	vadd.f32 v33, v30;
	v25 =	vadd.f32 v25, v20;
	v49 =	vperm.xlane v23, v18  }
0x89: {  	v20 =	vadd.f32 v62, v24;
	v24 =	vmul.f32 v31, v54;
	v31 =	vld [tilespmem:s25+$0x4520];
	v47 =	vperm.xlane v28, v18  }
0x8a: {  	v26 =	vadd.f32 v26, v41;
	v44 =	vmul.f32 v6, v21;
	v45 =	vmul.f32 v3, v25  }
0x8b: {  	v24 =	vadd.f32 v22, v24;
	v22 =	vmul.f32 v55, v40;
	v28 =	vadd.f32 v28, v47  }
0x8c: {  	v48 =	vld [tilespmem:s25+$0x4560];
	v53 =	vadd.f32 v23, v49;
	v23 =	vadd.f32 v45, v25;
	v25 =	vperm.xlane v26, v17  }
0x8d: {  	v50 =	vld [tilespmem:s25+$0x4570];
	v37 =	vmul.f32 v57, v43;
	v32 =	vadd.f32 v22, v51;
	v54 =	vmul.f32 v7, v28  }
0x8e: {  	v52 =	vld [tilespmem:s25+$0x4550];
	v55 =	vperm.xlane v30, v0;
	v58 =	vadd.f32 v26, v25;
	v26 =	vmul.f32 v31, v46  }
0x8f: {  	v29 =	vmul.f32 v2, v53;
	v31 =	vld [tilespmem:s25+$0x570];
	v22 =	vadd.f32 v54, v28;
	v28 =	vperm.xlane v32, v0  }
0x90: {  	v60 =	vld [tilespmem:s25+$0x560];
	v59 =	vperm.xlane v24, v0;
	v25 =	vadd.f32 v30, v55;
	v27 =	vadd.f32 v27, v26  }
0x91: {  	v56 =	vld [tilespmem:s25+$0x550];
	v26 =	vadd.f32 v29, v53;
	v29 =	vperm.xlane v58, v18;
	v28 =	vadd.f32 v32, v28  }
0x92: {  	v21 =	vadd.f32 v44, v21;
	v61 =	vadd.f32 v24, v59;
	v24 =	vperm.xlane v27, v0  }
0x93: {  	v30 =	vperm.xlane v25, v1;
	v29 =	vadd.f32 v58, v29;
	v62 =	vperm.xlane v28, v1  }
0x94: {  	v33 =	vld [tilespmem:s25+$0x580];
	v63 =	vperm.xlane v61, v1;
	v40 =	vmul.f32 v50, v31;
	v35 =	vadd.f32 v27, v24  }
0x95: {  	v31 =	vld [tilespmem:s25+$0x4580];
	v27 =	vmul.f32 v4, v29;
	v36 =	vadd.f32 v28, v62;
	v28 =	vmul.f32 v48, v60  }
0x96: {  	v32 =	vmul.f32 v52, v56;
	v34 =	vadd.f32 v61, v63;
	v24 =	vld [tilespmem:s25+$0x45A0];
	v38 =	vperm.xlane v35, v1  }
0x97: {  	s28 =	simm.s32 $0x8400;
	s24 =	simm.s32 $0x8400;
	s26 =	simm.s32 $0x800;
	v27 =	vadd.f32 v27, v29;
	v39 =	vperm.xlane v36, v17;
	v29 =	vadd.f32 v40, v28;
	v28 =	vld [tilespmem:s25+$0x45B0]  }
.LBB2_2:
0x98: {  	p0 =	sne.s32 s26, $0xF800  }
0x99: {  	v40 =	vperm.xlane v34, v17;
	v35 =	vadd.f32 v35, v38;
	v32 =	vadd.f32 v32, v37;
	v37 =	vld [tilespmem:s25+$0x4590];
	s28 =	sadd.s32 $0x10, s28;
	s29 =	smov.u32 s26;
	s26 =	sadd.s32 $0x800, s26  }
0x9a: {  	v36 =	vadd.f32 v36, v39;
	v38 =	vperm.xlane v29, v0;
	v39 =	vld [tilespmem:s25+$0x590]  }
0x9b: {  	v25 =	vadd.f32 v25, v30;
	v34 =	vadd.f32 v34, v40;
	v30 =	vperm.xlane v35, v17;
	v40 =	vld [tilespmem:s25+$0x5B0]  }
0x9c: {  	v26 =	vadd.f32 $0.0e+00, v26;
	v41 =	vperm.xlane v36, v18;
	v31 =	vmul.f32 v31, v33;
	v33 =	vld [tilespmem:s25+$0x5A0]  }
0x9d: {  	v43 =	vperm.xlane v25, v17;
	v42 =	vperm.xlane v34, v18;
	v30 =	vadd.f32 v35, v30  }
0x9e: {  	v23 =	vadd.f32 v23, v26;
	v35 =	vperm.xlane v32, v0;
	v26 =	vadd.f32 v36, v41;
	v36 =	vld [tilespmem:s25+$0x45D0]  }
0x9f: {  	v25 =	vadd.f32 v25, v43;
	v34 =	vadd.f32 v34, v42;
	v37 =	vmul.f32 v37, v39;
	v39 =	vld [tilespmem:s25+$0x5D0]  }
0xa0: {  	v29 =	vadd.f32 v29, v38;
	v32 =	vadd.f32 v32, v35;
	v41 =	vmul.f32 v10, v26;
	v35 =	vld [tilespmem:s25+$0x5C0]  }
0xa1: {  	v23 =	vadd.f32 v27, v23;
	v27 =	vperm.xlane v30, v18;
	v28 =	vmul.f32 v28, v40;
	v38 =	vld [tilespmem:s25+$0x45E0]  }
0xa2: {  	v40 =	vperm.xlane v25, v18;
	v26 =	vadd.f32 v41, v26;
	v41 =	vperm.xlane v29, v1;
	v42 =	vld [tilespmem:s25+$0x45C0]  }
0xa3: {  	v27 =	vadd.f32 v30, v27;
	v30 =	vperm.xlane v32, v1;
	v24 =	vmul.f32 v24, v33;
	v33 =	vld [tilespmem:s25+$0x5E0]  }
0xa4: {  	v31 =	vadd.f32 v37, v31;
	v25 =	vadd.f32 v25, v40;
	v36 =	vmul.f32 v36, v39  }
0xa5: {  	v37 =	vmul.f32 v8, v34;
	v24 =	vadd.f32 v28, v24;
	v29 =	vadd.f32 v29, v41;
	v28 =	vld [tilespmem:s25+$0x5F0]  }
0xa6: {  	v20 =	vadd.f32 v20, v23;
	v23 =	vmul.f32 v9, v25;
	v39 =	vmul.f32 v11, v27;
	v40 =	vld [tilespmem:s25+$0x45F0]  }
0xa7: {  	v30 =	vadd.f32 v32, v30;
	v41 =	vperm.xlane v31, v0;
	v32 =	vperm.xlane v29, v17  }
0xa8: {  	v20 =	vadd.f32 v21, v20;
	v21 =	vperm.xlane v24, v0;
	v33 =	vmul.f32 v38, v33  }
0xa9: {  	v23 =	vadd.f32 v23, v25;
	v25 =	vadd.f32 v39, v27;
	v27 =	vperm.xlane v30, v17  }
0xaa: {  	v20 =	vadd.f32 v22, v20;
	v22 =	vadd.f32 v31, v41;
	v31 =	vmul.f32 v42, v35  }
0xab: {  	v27 =	vadd.f32 v30, v27;
	v29 =	vadd.f32 v29, v32;
	v28 =	vmul.f32 v40, v28  }
0xac: {  	v21 =	vadd.f32 v24, v21;
	v30 =	vperm.xlane v22, v1  }
0xad: {  	v24 =	vadd.f32 v37, v34;
	v31 =	vadd.f32 v36, v31;
	v32 =	vperm.xlane v29, v18  }
0xae: {  	v34 =	vperm.xlane v27, v18;
	v22 =	vadd.f32 v22, v30;
	v30 =	vperm.xlane v21, v1  }
0xaf: {  	v20 =	vadd.f32 v24, v20;
	v24 =	vadd.f32 v29, v32;
	v29 =	vperm.xlane v31, v0  }
0xb0: {  	v27 =	vadd.f32 v27, v34;
	v21 =	vadd.f32 v21, v30  }
0xb1: {  	v20 =	vadd.f32 v23, v20;
	v30 =	vperm.xlane v22, v17;
	v23 =	vmul.f32 v13, v24  }
0xb2: {  	v28 =	vadd.f32 v28, v33;
	v32 =	vmul.f32 v12, v27;
	v34 =	vperm.xlane v21, v17  }
0xb3: {  	v22 =	vadd.f32 v22, v30;
	v23 =	vadd.f32 v23, v24  }
0xb4: {  	v20 =	vadd.f32 v26, v20;
	v26 =	vperm.xlane v28, v0;
	v24 =	vadd.f32 v31, v29  }
0xb5: {  	v27 =	vadd.f32 v32, v27;
	v29 =	vperm.xlane v22, v18;
	v21 =	vadd.f32 v21, v34  }
0xb6: {  	v20 =	vadd.f32 v25, v20;
	v26 =	vadd.f32 v28, v26;
	v25 =	vperm.xlane v24, v1  }
0xb7: {  	v22 =	vadd.f32 v22, v29;
	v28 =	vperm.xlane v21, v18  }
0xb8: {  	v20 =	vadd.f32 v27, v20;
	v24 =	vadd.f32 v24, v25;
	v25 =	vperm.xlane v26, v1  }
0xb9: {  	v27 =	vmul.f32 v14, v22;
	v21 =	vadd.f32 v21, v28  }
0xba: {  	v20 =	vadd.f32 v23, v20;
	v23 =	vperm.xlane v24, v17;
	v25 =	vadd.f32 v26, v25  }
0xbb: {  	v22 =	vadd.f32 v27, v22;
	v26 =	vmul.f32 v15, v21  }
0xbc: {  	v23 =	vadd.f32 v24, v23;
	v24 =	vperm.xlane v25, v17  }
0xbd: {  	v20 =	vadd.f32 v22, v20;
	v21 =	vadd.f32 v26, v21  }
0xbe: {  	v22 =	vperm.xlane v23, v18;
	v24 =	vadd.f32 v25, v24;
	_ =	sdelay $0x1  }
0xbf: {  	v22 =	vadd.f32 v23, v22;
	v23 =	vperm.xlane v24, v18;
	_ =	sdelay $0x1  }
0xc0: {  	v25 =	vmul.f32 v16, v22;
	v23 =	vadd.f32 v24, v23;
	_ =	sdelay $0x1  }
0xc1: {  	v20 =	vadd.f32 v21, v20;
	v21 =	vadd.f32 v25, v22;
	v22 =	vmul.f32 v19, v23  }
0xc2: {  	s25 =	sshra.s32 s29, $0x2  }
0xc3: {  	v20 =	vadd.f32 v21, v20;
	v21 =	vadd.f32 v22, v23;
	_ =	sdelay $0x1  }
0xc4: {  	v20 =	vadd.f32 v21, v20;
	_ =	sdelay $0x1  }
0xc5: {  	[tilespmem:s24+$0x0] =	vst v20;
	s24 =	smov.u32 s28  }
0xc6: {  	v20 =	vld [tilespmem:s25+$0x4A0]  }
0xc7: {  	v21 =	vld [tilespmem:s25+$0x4480]  }
0xc8: {  	v22 =	vld [tilespmem:s25+$0x480]  }
0xc9: {  	v23 =	vld [tilespmem:s25+$0x490]  }
0xca: {  	v24 =	vld [tilespmem:s25+$0x44A0]  }
0xcb: {  	v25 =	vld [tilespmem:s25+$0x460]  }
0xcc: {  	v26 =	vld [tilespmem:s25+$0x470]  }
0xcd: {  	v27 =	vld [tilespmem:s25+$0x4460]  }
0xce: {  	v28 =	vld [tilespmem:s25+$0x4470]  }
0xcf: {  	v29 =	vld [tilespmem:s25+$0x4490]  }
0xd0: {  	v30 =	vld [tilespmem:s25+$0x4420]  }
0xd1: {  	v31 =	vld [tilespmem:s25+$0x4430]  }
0xd2: {  	v32 =	vld [tilespmem:s25+$0x420]  }
0xd3: {  	v33 =	vld [tilespmem:s25+$0x4410]  }
0xd4: {  	v34 =	vld [tilespmem:s25+$0x430]  }
0xd5: {  	v26 =	vmul.f32 v28, v26;
	v35 =	vld [tilespmem:s25+$0x400]  }
0xd6: {  	v25 =	vmul.f32 v27, v25;
	v28 =	vld [tilespmem:s25+$0x410]  }
0xd7: {  	v23 =	vmul.f32 v29, v23;
	v27 =	vld [tilespmem:s25+$0x4400];
	v30 =	vmul.f32 v30, v32  }
0xd8: {  	v25 =	vadd.f32 v26, v25;
	v29 =	vld [tilespmem:s25+$0x4440]  }
0xd9: {  	v21 =	vmul.f32 v21, v22;
	v26 =	vmul.f32 v31, v34;
	v22 =	vld [tilespmem:s25+$0x44B0]  }
0xda: {  	v31 =	vperm.xlane v25, v0;
	v32 =	vld [tilespmem:s25+$0x4B0]  }
0xdb: {  	v20 =	vmul.f32 v24, v20;
	v21 =	vadd.f32 v23, v21;
	v28 =	vmul.f32 v33, v28;
	v33 =	vld [tilespmem:s25+$0x4450]  }
0xdc: {  	v24 =	vadd.f32 v26, v30;
	v25 =	vadd.f32 v25, v31;
	v23 =	vmul.f32 v27, v35;
	v26 =	vld [tilespmem:s25+$0x450]  }
0xdd: {  	v30 =	vperm.xlane v21, v0;
	v27 =	vld [tilespmem:s25+$0x440]  }
0xde: {  	v31 =	vperm.xlane v25, v1;
	v23 =	vadd.f32 v28, v23;
	v28 =	vperm.xlane v24, v0;
	v34 =	vld [tilespmem:s25+$0x4530]  }
0xdf: {  	v21 =	vadd.f32 v21, v30;
	v22 =	vmul.f32 v22, v32;
	v30 =	vld [tilespmem:s25+$0x4520]  }
0xe0: {  	v25 =	vadd.f32 v25, v31;
	v32 =	vperm.xlane v23, v0;
	v24 =	vadd.f32 v24, v28;
	v28 =	vld [tilespmem:s25+$0x44D0]  }
0xe1: {  	v31 =	vperm.xlane v21, v1;
	v26 =	vmul.f32 v33, v26;
	v20 =	vadd.f32 v22, v20;
	v22 =	vld [tilespmem:s25+$0x4D0]  }
0xe2: {  	v33 =	vperm.xlane v25, v17;
	v23 =	vadd.f32 v23, v32;
	v32 =	vperm.xlane v24, v1;
	v35 =	vld [tilespmem:s25+$0x4C0]  }
0xe3: {  	v21 =	vadd.f32 v21, v31;
	v27 =	vmul.f32 v29, v27;
	v29 =	vperm.xlane v20, v0;
	v31 =	vld [tilespmem:s25+$0x4510]  }
0xe4: {  	v25 =	vadd.f32 v25, v33;
	v36 =	vperm.xlane v23, v1;
	v24 =	vadd.f32 v24, v32;
	v32 =	vld [tilespmem:s25+$0x44E0]  }
0xe5: {  	v26 =	vadd.f32 v26, v27;
	v27 =	vperm.xlane v21, v17;
	v20 =	vadd.f32 v20, v29;
	v29 =	vld [tilespmem:s25+$0x44C0]  }
0xe6: {  	v23 =	vadd.f32 v23, v36;
	v33 =	vperm.xlane v24, v17;
	v36 =	vperm.xlane v25, v18;
	v37 =	vld [tilespmem:s25+$0x4F0]  }
0xe7: {  	v38 =	vperm.xlane v26, v0;
	v21 =	vadd.f32 v21, v27;
	v27 =	vperm.xlane v20, v1;
	v39 =	vld [tilespmem:s25+$0x4E0]  }
0xe8: {  	v40 =	vperm.xlane v23, v17;
	v24 =	vadd.f32 v24, v33;
	v25 =	vadd.f32 v25, v36;
	v33 =	vld [tilespmem:s25+$0x44F0]  }
0xe9: {  	v26 =	vadd.f32 v26, v38;
	v36 =	vperm.xlane v21, v18;
	v27 =	vadd.f32 v20, v27;
	v38 =	vld [tilespmem:s25+$0x4500]  }
0xea: {  	v23 =	vadd.f32 v23, v40;
	v20 =	vperm.xlane v24, v18;
	v40 =	vmul.f32 v5, v25;
	v41 =	vld [tilespmem:s25+$0x510]  }
0xeb: {  	v42 =	vperm.xlane v26, v1;
	v21 =	vadd.f32 v21, v36;
	v36 =	vperm.xlane v27, v17;
	v43 =	vld [tilespmem:s25+$0x500]  }
0xec: {  	v24 =	vadd.f32 v24, v20;
	v20 =	vadd.f32 v40, v25;
	v25 =	vmul.f32 v29, v35;
	v29 =	vld [tilespmem:s25+$0x530]  }
0xed: {  	v22 =	vmul.f32 v28, v22;
	v35 =	vmul.f32 v6, v21;
	v27 =	vadd.f32 v27, v36;
	v28 =	vld [tilespmem:s25+$0x520]  }
0xee: {  	v26 =	vadd.f32 v26, v42;
	v32 =	vmul.f32 v32, v39;
	v36 =	vmul.f32 v3, v24  }
0xef: {  	v33 =	vmul.f32 v33, v37;
	v21 =	vadd.f32 v35, v21;
	v35 =	vperm.xlane v27, v18;
	v37 =	vld [tilespmem:s25+$0x4560]  }
0xf0: {  	v39 =	vperm.xlane v23, v18;
	v40 =	vadd.f32 v22, v25;
	v22 =	vmul.f32 v31, v41;
	v31 =	vld [tilespmem:s25+$0x4570]  }
0xf1: {  	v25 =	vadd.f32 v27, v35;
	v27 =	vadd.f32 v33, v32;
	v32 =	vmul.f32 v38, v43;
	v33 =	vld [tilespmem:s25+$0x4550]  }
0xf2: {  	v35 =	vadd.f32 v23, v39;
	v23 =	vadd.f32 v36, v24;
	v24 =	vperm.xlane v26, v17;
	v39 =	vld [tilespmem:s25+$0x4540]  }
0xf3: {  	v36 =	vmul.f32 v7, v25;
	v38 =	vperm.xlane v27, v0;
	v32 =	vadd.f32 v22, v32;
	v41 =	vld [tilespmem:s25+$0x550]  }
0xf4: {  	v24 =	vadd.f32 v26, v24;
	v26 =	vmul.f32 v30, v28;
	v28 =	vmul.f32 v34, v29;
	v29 =	vld [tilespmem:s25+$0x540]  }
0xf5: {  	v30 =	vmul.f32 v2, v35;
	v22 =	vadd.f32 v36, v25;
	v34 =	vperm.xlane v32, v0;
	v36 =	vld [tilespmem:s25+$0x570]  }
0xf6: {  	v42 =	vperm.xlane v40, v0;
	v25 =	vadd.f32 v27, v38;
	v27 =	vadd.f32 v28, v26;
	v28 =	vld [tilespmem:s25+$0x560]  }
0xf7: {  	v26 =	vadd.f32 v30, v35;
	v30 =	vperm.xlane v24, v18;
	v34 =	vadd.f32 v32, v34  }
0xf8: {  	v38 =	vadd.f32 v40, v42;
	v35 =	vperm.xlane v27, v0;
	v32 =	vmul.f32 v33, v41  }
.Ltmp0:
0xf9: {  	v40 =	vadd.f32 v24, v30;
	v30 =	vperm.xlane v25, v1;
	v33 =	vperm.xlane v34, v1;
	(pc) =	sbr.rel @p0 .LBB2_2-.Ltmp0, $4  }
0xfa: {  	v41 =	vperm.xlane v38, v1;
	v35 =	vadd.f32 v27, v35;
	v42 =	vmul.f32 v31, v36;
	v24 =	vld [tilespmem:s25+$0x45A0]  }
0xfb: {  	v27 =	vmul.f32 v4, v40;
	v36 =	vadd.f32 v34, v33;
	v28 =	vmul.f32 v37, v28;
	v31 =	vld [tilespmem:s25+$0x4580]  }
0xfc: {  	v34 =	vadd.f32 v38, v41;
	v38 =	vperm.xlane v35, v1;
	v37 =	vmul.f32 v39, v29;
	v33 =	vld [tilespmem:s25+$0x580]  }
0xfd: {  	v27 =	vadd.f32 v27, v40;
	v39 =	vperm.xlane v36, v17;
	v29 =	vadd.f32 v42, v28;
	v28 =	vld [tilespmem:s25+$0x45B0]  }
0xfe: {  	v52 =	vld [tilespmem:s25+$0x4590]  }
0xff: {  	v54 =	vld [tilespmem:s25+$0x590]  }
0x100: {  	v35 =	vadd.f32 v35, v38;
	v32 =	vadd.f32 v32, v37;
	v41 =	vld [tilespmem:s25+$0x5B0]  }
0x101: {  	v40 =	vperm.xlane v34, v17;
	v25 =	vadd.f32 v25, v30;
	v26 =	vadd.f32 $0.0e+00, v26;
	v42 =	vld [tilespmem:s25+$0x5A0]  }
0x102: {  	v60 =	vld [tilespmem:s25+$0x45D0];
	v36 =	vadd.f32 v36, v39;
	v53 =	vperm.xlane v29, v0;
	v55 =	vperm.xlane v35, v17  }
0x103: {  	v62 =	vld [tilespmem:s25+$0x5D0];
	v34 =	vadd.f32 v34, v40;
	v43 =	vperm.xlane v25, v17;
	v59 =	vperm.xlane v32, v0  }
0x104: {  	v23 =	vadd.f32 v23, v26;
	v56 =	vperm.xlane v36, v18;
	v31 =	vmul.f32 v31, v33  }
0x105: {  	v29 =	vadd.f32 v29, v53;
	v57 =	vperm.xlane v34, v18;
	v30 =	vadd.f32 v35, v55  }
0x106: {  	v25 =	vadd.f32 v25, v43;
	v26 =	vadd.f32 v32, v59;
	v61 =	vmul.f32 v52, v54  }
0x107: {  	v23 =	vadd.f32 v27, v23;
	v46 =	vmul.f32 v28, v41;
	v49 =	vperm.xlane v29, v1  }
0x108: {  	v58 =	vadd.f32 v36, v56;
	v24 =	vmul.f32 v24, v42;
	v53 =	vmul.f32 v60, v62  }
0x109: {  	v45 =	vld [tilespmem:s25+$0x5C0];
	v33 =	vadd.f32 v34, v57;
	v44 =	vperm.xlane v30, v18;
	v47 =	vperm.xlane v25, v18  }
0x10a: {  	v50 =	vld [tilespmem:s25+$0x45C0];
	v51 =	vperm.xlane v26, v1;
	v20 =	vadd.f32 v20, v23;
	v31 =	vadd.f32 v61, v31  }
0x10b: {  	v48 =	vld [tilespmem:s25+$0x45E0];
	v63 =	vmul.f32 v10, v58;
	v29 =	vadd.f32 v29, v49;
	v24 =	vadd.f32 v46, v24  }
0x10c: {  	v55 =	vld [tilespmem:s25+$0x5F0];
	v30 =	vadd.f32 v30, v44;
	v25 =	vadd.f32 v25, v47;
	v54 =	vmul.f32 v8, v33  }
0x10d: {  	v52 =	vld [tilespmem:s25+$0x5E0];
	v26 =	vadd.f32 v26, v51;
	v20 =	vadd.f32 v21, v20;
	v59 =	vperm.xlane v29, v17  }
0x10e: {  	v35 =	vadd.f32 v63, v58;
	v58 =	vld [tilespmem:s25+$0x45F0];
	v60 =	vperm.xlane v31, v0;
	v61 =	vperm.xlane v24, v0  }
0x10f: {  	v63 =	vmul.f32 v50, v45;
	v56 =	vmul.f32 v9, v25;
	v20 =	vadd.f32 v22, v20  }
0x110: {  	v57 =	vmul.f32 v11, v30;
	v39 =	vadd.f32 v54, v33;
	v31 =	vadd.f32 v31, v60  }
0x111: {  	v62 =	vperm.xlane v26, v17;
	v37 =	vadd.f32 v29, v59;
	v22 =	vadd.f32 v53, v63  }
0x112: {  	v28 =	vmul.f32 v48, v52;
	v21 =	vadd.f32 v24, v61;
	v23 =	vadd.f32 v56, v25  }
0x113: {  	v30 =	vadd.f32 v57, v30;
	v25 =	vadd.f32 v26, v62;
	v27 =	vmul.f32 v58, v55  }
0x114: {  	v20 =	vadd.f32 v39, v20;
	v38 =	vperm.xlane v31, v1;
	v40 =	vperm.xlane v37, v18  }
0x115: {  	v41 =	vperm.xlane v22, v0;
	v43 =	vperm.xlane v21, v1;
	v27 =	vadd.f32 v27, v28  }
0x116: {  	v42 =	vperm.xlane v25, v18;
	v20 =	vadd.f32 v23, v20;
	v29 =	vadd.f32 v31, v38  }
0x117: {  	v22 =	vadd.f32 v22, v41;
	v26 =	vadd.f32 v37, v40;
	v44 =	vperm.xlane v27, v0  }
0x118: {  	v21 =	vadd.f32 v21, v43;
	v25 =	vadd.f32 v25, v42  }
0x119: {  	v45 =	vperm.xlane v29, v17;
	v46 =	vperm.xlane v22, v1;
	v24 =	vadd.f32 v27, v44  }
0x11a: {  	v20 =	vadd.f32 v35, v20;
	v49 =	vperm.xlane v21, v17;
	v53 =	vmul.f32 v13, v26  }
0x11b: {  	v48 =	vadd.f32 v29, v45;
	v22 =	vadd.f32 v22, v46;
	v50 =	vperm.xlane v24, v1  }
0x11c: {  	v47 =	vmul.f32 v12, v25;
	v20 =	vadd.f32 v30, v20;
	v21 =	vadd.f32 v21, v49  }
0x11d: {  	v51 =	vperm.xlane v48, v18;
	v52 =	vperm.xlane v22, v17;
	v24 =	vadd.f32 v24, v50  }
0x11e: {  	v26 =	vadd.f32 v53, v26;
	v23 =	vadd.f32 v47, v25;
	v54 =	vperm.xlane v21, v18  }
0x11f: {  	v25 =	vadd.f32 v48, v51;
	v22 =	vadd.f32 v22, v52;
	v55 =	vperm.xlane v24, v17  }
0x120: {  	v20 =	vadd.f32 v23, v20;
	v21 =	vadd.f32 v21, v54  }
0x121: {  	v56 =	vmul.f32 v14, v25;
	v57 =	vperm.xlane v22, v18;
	v24 =	vadd.f32 v24, v55  }
0x122: {  	v20 =	vadd.f32 v26, v20;
	v58 =	vmul.f32 v15, v21  }
0x123: {  	v23 =	vadd.f32 v56, v25;
	v22 =	vadd.f32 v22, v57;
	v59 =	vperm.xlane v24, v18  }
0x124: {  	v21 =	vadd.f32 v58, v21  }
0x125: {  	v20 =	vadd.f32 v23, v20;
	v60 =	vmul.f32 v16, v22;
	v24 =	vadd.f32 v24, v59;
	_ =	sdelay $0x1  }
0x126: {  	v20 =	vadd.f32 v21, v20;
	v61 =	vadd.f32 v60, v22;
	v62 =	vmul.f32 v19, v24;
	_ =	sdelay $0x1  }
0x127: {  	v20 =	vadd.f32 v61, v20;
	v63 =	vadd.f32 v62, v24;
	_ =	sdelay $0x1  }
0x128: {  	s23 =	sadd.s32 $0x1, s23;
	v20 =	vadd.f32 v63, v20  }
0x129: {  	p0 =	sne.s32 s23, s14  }
.Ltmp1:
0x12a: {  	[tilespmem:s24+$0x0] =	vst v20;
	(pc) =	sbr.rel @p0 .LBB2_1-.Ltmp1, $4  }
0x12b: {  	[hbm4b:s13+s2] =	stream.linear.scatter [tilespmem:s3], [sflag:$0x2], $0x200, $0x38;
	[tilespmem:$0x8600] =	vst v63  }
0x12c: {  	_ =	swait.ge [sflag:s15], $0x200  }
0x12d: {  	[sflag:s15] =	ssyncset.done $0x0  }
0x12e: {  	[sflag:s15] =	ssyncadd.s32 $0xFFFFFE00  }
0x12f: {  	_ =	sfence.sel $0x180000  }
0x130: {  	[bflag:$0x0] =	sbarrier.arrive $0xFFFF  }
0x131: {  	_ =	strace $0x90000047  }
0x132: {  	s0 =	stileid.u32;
	[bflag:$0x2] =	sbarrier.arrive $0xFFFF  }
0x133: {  	p0 =	sne.s32 s0, $0x0;
	s0 =	rddreg [dreg:$0x4]  }
0x134: {  	s0 =	sadd.s32 @!p0 $0x100000, s0  }
0x135: {  	[sflag:s0] =	ssyncadd.tile.s32 @!p0 $0x1;
	_ =	shalt  }
.Lfunc_end2:
_tile_overlayer_lowered:
.L_overlay_start_2:
0x136: {  	(tag) =	ssettag $0x2  }
0x137: {  	s0 =	rddreg [dreg:$0x0];
	s2 =	stileid.u32  }
0x138: {  	s1 =	rddreg [dreg:$0x1];
	p0 =	sne.s32 s2, $0x0  }
0x139: {  	s3 =	rddreg [dreg:$0x2];
	[bflag:$0x3] =	sbarrier.arrive $0xFFFF;
	s2 =	simm.s32 @!p0 $0x1C02  }
0x13a: {  	[timem:s3], [sflag:s2] =	dma.local @!p0 [hbm:s0], s1  }
0x13b: {  	s0 =	simm.s32 @!p0 $0x2  }
0x13c: {  	_ =	swait.ge @!p0 [sflag:s0], s1  }
0x13d: {  	s1 =	ssub.s32 @!p0 $0x0, s1;
	[sflag:s0] =	ssyncset.done @!p0 $0x0  }
0x13e: {  	[sflag:s0] =	ssyncadd.s32 @!p0 s1  }
0x13f: {  	[bflag:$0x3] =	sbarrier.arrive $0xFFFF  }
0x140: {  	_ =	shalt  }

</sc_bundles>
